<compile_context>
chip_gen: v7x
topology: tpu7x:2x2x1
jax: 0.10.2.dev20260603
libtpu: 0.0.44.dev20260713+nightly
codegen_flags: <defaults>
</compile_context>

<pallas_src>
import functools

import jax
import jax.numpy as jnp
from jax import lax
from jax.experimental import pallas as pl
from jax.experimental.pallas import tpu as pltpu
from jax.experimental.pallas import tpu_sc as plsc

VOCAB = 100000
DESC = 768
PROJ = 128
BATCH = 16384



@functools.cache
def _make_sc_gather(B, D):
    NC, NS = 2, 16
    NW = NC * NS
    b_per_w = B // NW
    C = 32
    NB = 5
    n_chunks = b_per_w // C
    mesh = plsc.VectorSubcoreMesh(core_axis_name="c", subcore_axis_name="s")

    @functools.partial(
        pl.kernel,
        mesh=mesh,
        compiler_params=pltpu.CompilerParams(skip_device_barrier=True),
        out_type=jax.ShapeDtypeStruct((B, D), jnp.float32),
        scratch_types=[
            pltpu.VMEM((b_per_w,), jnp.int32),
            [pltpu.VMEM((C, D), jnp.float32) for _ in range(NB)],
            [pltpu.SemaphoreType.DMA for _ in range(NB)],
            [pltpu.SemaphoreType.DMA for _ in range(NB)],
        ],
    )
    def gather(idx_hbm, table_hbm, out_hbm, idx_v, bufs, gsems, osems):
        wid = lax.axis_index("s") * NC + lax.axis_index("c")
        base = wid * b_per_w
        pltpu.sync_copy(idx_hbm.at[pl.ds(base, b_per_w)], idx_v)

        def issue_gather(c, buf, gs):
            off = pl.multiple_of(c * C, 8)
            pltpu.async_copy(table_hbm.at[idx_v.at[pl.ds(off, C)]], buf, gs)

        for k in range(NB - 1):
            issue_gather(k, bufs[k], gsems[k])

        def chunk(i, carry):
            def do(s):
                s_next = (s + NB - 1) % NB
                @pl.when(i >= 1)
                def _():
                    pltpu.make_async_copy(
                        bufs[s_next], out_hbm.at[pl.ds(base, C)],
                        osems[s_next]).wait()
                @pl.when(i + NB - 1 < n_chunks)
                def _():
                    issue_gather(i + NB - 1, bufs[s_next], gsems[s_next])
                pltpu.make_async_copy(
                    table_hbm.at[idx_v.at[pl.ds(0, C)]], bufs[s],
                    gsems[s]).wait()
                pltpu.async_copy(
                    bufs[s], out_hbm.at[pl.ds(base + i * C, C)], osems[s])

            for s in range(NB):
                @pl.when(lax.rem(i, NB) == s)
                def _(s=s):
                    do(s)

            return carry

        lax.fori_loop(0, n_chunks, chunk, 0)
        s_last = (n_chunks - 1) % NB
        pltpu.make_async_copy(
            bufs[s_last], out_hbm.at[pl.ds(base, C)], osems[s_last]).wait()

    return gather



_BM = 4096


def _proj_body(vals_ref, emb_ref, wproj_ref, wvalt_ref, bval_ref, bproj_ref, out_ref):
    wp1 = wproj_ref[:, :DESC]
    wp2 = wproj_ref[:, DESC:]
    c1 = lax.dot_general(wvalt_ref[...], wp1, (((1,), (1,)), ((), ())),
                         preferred_element_type=jnp.float32)
    c0 = lax.dot_general(bval_ref[...], wp1, (((1,), (1,)), ((), ())),
                         preferred_element_type=jnp.float32) + bproj_ref[...]
    emb_term = lax.dot_general(emb_ref[...], wp2, (((1,), (1,)), ((), ())),
                               preferred_element_type=jnp.float32)
    val_term = lax.dot_general(vals_ref[...], c1, (((0,), (0,)), ((), ())),
                               preferred_element_type=jnp.float32)
    out_ref[...] = emb_term + val_term + c0


def _proj(values_row, emb, W_proj, W_val_t, b_val2, b_proj2):
    n = emb.shape[0]
    grid = (n // _BM,)
    return pl.pallas_call(
        _proj_body,
        grid=grid,
        in_specs=[
            pl.BlockSpec((1, _BM), lambda i: (0, i)),
            pl.BlockSpec((_BM, DESC), lambda i: (i, 0)),
            pl.BlockSpec((PROJ, 2 * DESC), lambda i: (0, 0)),
            pl.BlockSpec((1, DESC), lambda i: (0, 0)),
            pl.BlockSpec((1, DESC), lambda i: (0, 0)),
            pl.BlockSpec((1, PROJ), lambda i: (0, 0)),
        ],
        out_specs=pl.BlockSpec((_BM, PROJ), lambda i: (i, 0)),
        out_shape=jax.ShapeDtypeStruct((n, PROJ), jnp.float32),
        compiler_params=pltpu.CompilerParams(skip_device_barrier=True),
    )(values_row, emb, W_proj, W_val_t, b_val2, b_proj2)


def kernel(description_idx, values, embedded_descriptions, W_val, b_val, W_proj, b_proj):
    idx = description_idx.astype(jnp.int32)
    values_row = values.reshape(1, BATCH)
    emb = _make_sc_gather(BATCH, DESC)(idx, embedded_descriptions)
    return _proj(
        values_row,
        emb,
        W_proj,
        W_val.reshape(1, DESC),
        b_val.reshape(1, DESC),
        b_proj.reshape(1, PROJ),
    )

# --- scband reference (transcript-rebuilt; emitter-appended) ---
"""Pipeline reference for scband-node-embedder-roberta-59133109731980 (READ-ONLY COPY).

The authoritative reference and input builder live on the scoring server;
editing this copy changes nothing except your own understanding.
"""

import jax, jax.numpy as jnp
import numpy as np

VOCAB = 100000
DESC = 768
PROJ = 128
BATCH = 16384


def setup_inputs(seed: int = 0):
    key = jax.random.key(seed)
    ks = jax.random.split(key, 6)
    description_idx = jax.random.randint(ks[0], (BATCH,), 0, VOCAB)
    values = jax.random.normal(ks[1], (BATCH, 1), dtype=jnp.float32)
    # learned parameters: precomputed RoBERTa description embeddings + two linear layers
    embedded_descriptions = jax.random.normal(ks[2], (VOCAB, DESC), dtype=jnp.float32)
    W_val = jax.random.normal(ks[3], (DESC, 1), dtype=jnp.float32) * 0.02
    b_val = jnp.zeros((DESC,), dtype=jnp.float32)
    W_proj = jax.random.normal(ks[4], (PROJ, 2 * DESC), dtype=jnp.float32) * 0.02
    b_proj = jnp.zeros((PROJ,), dtype=jnp.float32)
    return {
        "description_idx": description_idx,
        "values": values,
        "embedded_descriptions": embedded_descriptions,
        "W_val": W_val,
        "b_val": b_val,
        "W_proj": W_proj,
        "b_proj": b_proj,
    }


def reference(description_idx, values, embedded_descriptions, W_val, b_val, W_proj, b_proj):
    # embedding lookup (gather) from precomputed description table
    emb = jnp.take(embedded_descriptions, description_idx, axis=0)
    # value_embedding: Linear(1 -> 768)
    val_emb = values @ W_val.T + b_val
    # concat(value_emb, description_emb) along feature dim -> [B, 1536]
    description_value_tensor = jnp.concatenate([val_emb, emb], axis=-1)
    # feature_projection: Linear(1536 -> projection_dim)
    node_embedding = description_value_tensor @ W_proj.T + b_proj
    return node_embedding

if __name__ == "__main__":
    import jax
    _d = setup_inputs()
    print(jax.jit(kernel)(*tuple(_d.values())))

</pallas_src>

<mosaic_0001>
#map = affine_map<(d0, d1) -> (0)>
#map1 = affine_map<(d0, d1) -> (0, 0)>
module attributes {stable_mosaic.version = 14 : i64} {
  func.func @gather(%arg0: i32, %arg1: i32, %arg2: memref<16384xi32, #tpu.memory_space<hbm>>, %arg3: memref<100000x768xf32, #tpu.memory_space<hbm>>, %arg4: memref<16384x768xf32, #tpu.memory_space<hbm>>, %arg5: memref<512xi32, #tpu.memory_space<vmem>>, %arg6: memref<32x768xf32, #tpu.memory_space<vmem>>, %arg7: memref<32x768xf32, #tpu.memory_space<vmem>>, %arg8: memref<32x768xf32, #tpu.memory_space<vmem>>, %arg9: memref<32x768xf32, #tpu.memory_space<vmem>>, %arg10: memref<32x768xf32, #tpu.memory_space<vmem>>, %arg11: memref<!tpu.dma_semaphore, #tpu.memory_space<semaphore_mem>>, %arg12: memref<!tpu.dma_semaphore, #tpu.memory_space<semaphore_mem>>, %arg13: memref<!tpu.dma_semaphore, #tpu.memory_space<semaphore_mem>>, %arg14: memref<!tpu.dma_semaphore, #tpu.memory_space<semaphore_mem>>, %arg15: memref<!tpu.dma_semaphore, #tpu.memory_space<semaphore_mem>>, %arg16: memref<!tpu.dma_semaphore, #tpu.memory_space<semaphore_mem>>, %arg17: memref<!tpu.dma_semaphore, #tpu.memory_space<semaphore_mem>>, %arg18: memref<!tpu.dma_semaphore, #tpu.memory_space<semaphore_mem>>, %arg19: memref<!tpu.dma_semaphore, #tpu.memory_space<semaphore_mem>>, %arg20: memref<!tpu.dma_semaphore, #tpu.memory_space<semaphore_mem>>) attributes {dimension_semantics = [#tpu.dimension_semantics<core_parallel>, #tpu.dimension_semantics<subcore_parallel>], iteration_bounds = array<i64: 2, 16>, scalar_prefetch = 0 : i64, scratch_operands = 16 : i64, tpu.core_type = #tpu.core_type<sc_vector_subcore>, window_params = [{transform_indices = #map}, {transform_indices = #map1}, {transform_indices = #map1}]} {
    %mul3A = arith.constant 2 : i32
    %mul3A_0 = arith.muli %arg1, %mul3A : i32
    %add3A = arith.addi %mul3A_0, %arg0 : i32
    %mul3A_1 = arith.constant 512 : i32
    %mul3A_2 = arith.muli %add3A, %mul3A_1 : i32
    "tpu.region"() ({
      %run_scoped3A = tpu.sem_alloc : memref<!tpu.dma_semaphore, #tpu.memory_space<semaphore_mem>>
      %dma_start3A_33 = tpu.memref_slice %arg2[%mul3A_2] : memref<16384xi32, #tpu.memory_space<hbm>> -> memref<512xi32, #tpu.memory_space<hbm>>
      %dma_start3A_34 = tpu.memref_slice %arg2[%mul3A_2] : memref<16384xi32, #tpu.memory_space<hbm>> -> memref<512xi32, #tpu.memory_space<hbm>>
      tpu.enqueue_dma source(%dma_start3A_34 : memref<512xi32, #tpu.memory_space<hbm>>) target(%arg5 : memref<512xi32, #tpu.memory_space<vmem>>) target_semaphore(%run_scoped3A : memref<!tpu.dma_semaphore, #tpu.memory_space<semaphore_mem>>)
      %dma_wait3A_35 = tpu.memref_slice %arg2[%mul3A_2] : memref<16384xi32, #tpu.memory_space<hbm>> -> memref<512xi32, #tpu.memory_space<hbm>>
      %dma_wait3A_36 = tpu.memref_slice %arg2[%mul3A_2] : memref<16384xi32, #tpu.memory_space<hbm>> -> memref<512xi32, #tpu.memory_space<hbm>>
      tpu.wait_dma2 semaphore(%run_scoped3A : memref<!tpu.dma_semaphore, #tpu.memory_space<semaphore_mem>>) src(%dma_wait3A_36 : memref<512xi32, #tpu.memory_space<hbm>>) dst(%arg5 : memref<512xi32, #tpu.memory_space<vmem>>)
      tpu.yield
    }) : () -> ()
    %multiple_of3A = arith.constant 0 : i32
    %multiple_of3A_3 = tpu.assume_multiple %multiple_of3A, 8 : i32
    %dma_start3A = tpu.memref_slice %arg5[%multiple_of3A_3] : memref<512xi32, #tpu.memory_space<vmem>> -> memref<32xi32, #tpu.memory_space<vmem>>
    %dma_start3A_4 = arith.constant 0 : i32
    %dma_start3A_5 = arith.constant 0 : i32
    %dma_start3A_6 = tpu.memref_slice %arg3[%dma_start3A_4, %dma_start3A_5] : memref<100000x768xf32, #tpu.memory_space<hbm>> -> memref<100000x768xf32, #tpu.memory_space<hbm>>
    tpu.enqueue_indirect_dma source(%dma_start3A_6 : memref<100000x768xf32, #tpu.memory_space<hbm>>) target(%arg6 : memref<32x768xf32, #tpu.memory_space<vmem>>) offsets(%dma_start3A : memref<32xi32, #tpu.memory_space<vmem>>) semaphore(%arg11 : memref<!tpu.dma_semaphore, #tpu.memory_space<semaphore_mem>>)
    %multiple_of3A_7 = arith.constant 32 : i32
    %multiple_of3A_8 = tpu.assume_multiple %multiple_of3A_7, 8 : i32
    %dma_start3A_9 = tpu.memref_slice %arg5[%multiple_of3A_8] : memref<512xi32, #tpu.memory_space<vmem>> -> memref<32xi32, #tpu.memory_space<vmem>>
    %dma_start3A_10 = arith.constant 0 : i32
    %dma_start3A_11 = arith.constant 0 : i32
    %dma_start3A_12 = tpu.memref_slice %arg3[%dma_start3A_10, %dma_start3A_11] : memref<100000x768xf32, #tpu.memory_space<hbm>> -> memref<100000x768xf32, #tpu.memory_space<hbm>>
    tpu.enqueue_indirect_dma source(%dma_start3A_12 : memref<100000x768xf32, #tpu.memory_space<hbm>>) target(%arg7 : memref<32x768xf32, #tpu.memory_space<vmem>>) offsets(%dma_start3A_9 : memref<32xi32, #tpu.memory_space<vmem>>) semaphore(%arg12 : memref<!tpu.dma_semaphore, #tpu.memory_space<semaphore_mem>>)
    %multiple_of3A_13 = arith.constant 64 : i32
    %multiple_of3A_14 = tpu.assume_multiple %multiple_of3A_13, 8 : i32
    %dma_start3A_15 = tpu.memref_slice %arg5[%multiple_of3A_14] : memref<512xi32, #tpu.memory_space<vmem>> -> memref<32xi32, #tpu.memory_space<vmem>>
    %dma_start3A_16 = arith.constant 0 : i32
    %dma_start3A_17 = arith.constant 0 : i32
    %dma_start3A_18 = tpu.memref_slice %arg3[%dma_start3A_16, %dma_start3A_17] : memref<100000x768xf32, #tpu.memory_space<hbm>> -> memref<100000x768xf32, #tpu.memory_space<hbm>>
    tpu.enqueue_indirect_dma source(%dma_start3A_18 : memref<100000x768xf32, #tpu.memory_space<hbm>>) target(%arg8 : memref<32x768xf32, #tpu.memory_space<vmem>>) offsets(%dma_start3A_15 : memref<32xi32, #tpu.memory_space<vmem>>) semaphore(%arg13 : memref<!tpu.dma_semaphore, #tpu.memory_space<semaphore_mem>>)
    %multiple_of3A_19 = arith.constant 96 : i32
    %multiple_of3A_20 = tpu.assume_multiple %multiple_of3A_19, 8 : i32
    %dma_start3A_21 = tpu.memref_slice %arg5[%multiple_of3A_20] : memref<512xi32, #tpu.memory_space<vmem>> -> memref<32xi32, #tpu.memory_space<vmem>>
    %dma_start3A_22 = arith.constant 0 : i32
    %dma_start3A_23 = arith.constant 0 : i32
    %dma_start3A_24 = tpu.memref_slice %arg3[%dma_start3A_22, %dma_start3A_23] : memref<100000x768xf32, #tpu.memory_space<hbm>> -> memref<100000x768xf32, #tpu.memory_space<hbm>>
    tpu.enqueue_indirect_dma source(%dma_start3A_24 : memref<100000x768xf32, #tpu.memory_space<hbm>>) target(%arg9 : memref<32x768xf32, #tpu.memory_space<vmem>>) offsets(%dma_start3A_21 : memref<32xi32, #tpu.memory_space<vmem>>) semaphore(%arg14 : memref<!tpu.dma_semaphore, #tpu.memory_space<semaphore_mem>>)
    %scan3A = arith.constant 0 : i32
    %scan3A_25 = arith.constant 0 : i32
    %scan3A_26 = arith.constant 16 : i32
    %scan3A_27 = arith.addi %scan3A_25, %scan3A_26 : i32
    %scan3A_28 = arith.constant 1 : i32
    scf.for %scan3A_33 = %scan3A_25 to %scan3A_27 step %scan3A_28  : i32 {
      %rem3A = arith.constant 5 : i32
      %rem3A_34 = arith.remsi %scan3A_33, %rem3A : i32
      %eq3A = arith.constant 0 : i32
      %eq3A_35 = arith.cmpi eq, %rem3A_34, %eq3A : i32
      %convert_element_type3A = arith.extui %eq3A_35 : i1 to i32
      %cond3A = arith.constant 0 : i32
      %cond3A_36 = arith.cmpi ne, %convert_element_type3A, %cond3A : i32
      scf.if %cond3A_36 {
        %ge3A = arith.constant 1 : i32
        %ge3A_65 = arith.cmpi sge, %scan3A_33, %ge3A : i32
        %convert_element_type3A_66 = arith.extui %ge3A_65 : i1 to i32
        %cond3A_67 = arith.constant 0 : i32
        %cond3A_68 = arith.cmpi ne, %convert_element_type3A_66, %cond3A_67 : i32
        scf.if %cond3A_68 {
          %dma_wait3A_88 = arith.constant 0 : i32
          %dma_wait3A_89 = tpu.memref_slice %arg4[%mul3A_2, %dma_wait3A_88] : memref<16384x768xf32, #tpu.memory_space<hbm>> -> memref<32x768xf32, #tpu.memory_space<hbm>>
          %dma_wait3A_90 = arith.constant 0 : i32
          %dma_wait3A_91 = tpu.memref_slice %arg4[%mul3A_2, %dma_wait3A_90] : memref<16384x768xf32, #tpu.memory_space<hbm>> -> memref<32x768xf32, #tpu.memory_space<hbm>>
          tpu.wait_dma2 semaphore(%arg20 : memref<!tpu.dma_semaphore, #tpu.memory_space<semaphore_mem>>) src(%arg10 : memref<32x768xf32, #tpu.memory_space<vmem>>) dst(%dma_wait3A_91 : memref<32x768xf32, #tpu.memory_space<hbm>>)
        } else {
        }
        %add3A_69 = arith.constant 5 : i32
        %add3A_70 = arith.addi %scan3A_33, %add3A_69 : i32
        %sub3A = arith.constant 1 : i32
        %sub3A_71 = arith.subi %add3A_70, %sub3A : i32
        %lt3A = arith.constant 16 : i32
        %lt3A_72 = arith.cmpi slt, %sub3A_71, %lt3A : i32
        %convert_element_type3A_73 = arith.extui %lt3A_72 : i1 to i32
        %cond3A_74 = arith.constant 0 : i32
        %cond3A_75 = arith.cmpi ne, %convert_element_type3A_73, %cond3A_74 : i32
        scf.if %cond3A_75 {
          %add3A_88 = arith.constant 5 : i32
          %add3A_89 = arith.addi %scan3A_33, %add3A_88 : i32
          %sub3A_90 = arith.constant 1 : i32
          %sub3A_91 = arith.subi %add3A_89, %sub3A_90 : i32
          %mul3A_92 = arith.constant 32 : i32
          %mul3A_93 = arith.muli %sub3A_91, %mul3A_92 : i32
          %multiple_of3A_94 = tpu.assume_multiple %mul3A_93, 8 : i32
          %dma_start3A_95 = tpu.memref_slice %arg5[%multiple_of3A_94] : memref<512xi32, #tpu.memory_space<vmem>> -> memref<32xi32, #tpu.memory_space<vmem>>
          %dma_start3A_96 = arith.constant 0 : i32
          %dma_start3A_97 = arith.constant 0 : i32
          %dma_start3A_98 = tpu.memref_slice %arg3[%dma_start3A_96, %dma_start3A_97] : memref<100000x768xf32, #tpu.memory_space<hbm>> -> memref<100000x768xf32, #tpu.memory_space<hbm>>
          tpu.enqueue_indirect_dma source(%dma_start3A_98 : memref<100000x768xf32, #tpu.memory_space<hbm>>) target(%arg10 : memref<32x768xf32, #tpu.memory_space<vmem>>) offsets(%dma_start3A_95 : memref<32xi32, #tpu.memory_space<vmem>>) semaphore(%arg15 : memref<!tpu.dma_semaphore, #tpu.memory_space<semaphore_mem>>)
        } else {
        }
        %dma_wait3A_76 = arith.constant 0 : i32
        %dma_wait3A_77 = tpu.memref_slice %arg5[%dma_wait3A_76] : memref<512xi32, #tpu.memory_space<vmem>> -> memref<32xi32, #tpu.memory_space<vmem>>
        %dma_wait3A_78 = arith.constant 0 : i32
        %dma_wait3A_79 = arith.constant 0 : i32
        %dma_wait3A_80 = tpu.memref_slice %arg3[%dma_wait3A_78, %dma_wait3A_79] : memref<100000x768xf32, #tpu.memory_space<hbm>> -> memref<100000x768xf32, #tpu.memory_space<hbm>>
        tpu.wait_indirect_dma semaphore(%arg11 : memref<!tpu.dma_semaphore, #tpu.memory_space<semaphore_mem>>) src(%dma_wait3A_80 : memref<100000x768xf32, #tpu.memory_space<hbm>>) dst(%arg6 : memref<32x768xf32, #tpu.memory_space<vmem>>)
        %mul3A_81 = arith.constant 32 : i32
        %mul3A_82 = arith.muli %scan3A_33, %mul3A_81 : i32
        %add3A_83 = arith.addi %mul3A_2, %mul3A_82 : i32
        %dma_start3A_84 = arith.constant 0 : i32
        %dma_start3A_85 = tpu.memref_slice %arg4[%add3A_83, %dma_start3A_84] : memref<16384x768xf32, #tpu.memory_space<hbm>> -> memref<32x768xf32, #tpu.memory_space<hbm>>
        %dma_start3A_86 = arith.constant 0 : i32
        %dma_start3A_87 = tpu.memref_slice %arg4[%add3A_83, %dma_start3A_86] : memref<16384x768xf32, #tpu.memory_space<hbm>> -> memref<32x768xf32, #tpu.memory_space<hbm>>
        tpu.enqueue_dma source(%arg6 : memref<32x768xf32, #tpu.memory_space<vmem>>) target(%dma_start3A_87 : memref<32x768xf32, #tpu.memory_space<hbm>>) target_semaphore(%arg16 : memref<!tpu.dma_semaphore, #tpu.memory_space<semaphore_mem>>)
      } else {
      }
      %rem3A_37 = arith.constant 5 : i32
      %rem3A_38 = arith.remsi %scan3A_33, %rem3A_37 : i32
      %eq3A_39 = arith.constant 1 : i32
      %eq3A_40 = arith.cmpi eq, %rem3A_38, %eq3A_39 : i32
      %convert_element_type3A_41 = arith.extui %eq3A_40 : i1 to i32
      %cond3A_42 = arith.constant 0 : i32
      %cond3A_43 = arith.cmpi ne, %convert_element_type3A_41, %cond3A_42 : i32
      scf.if %cond3A_43 {
        %ge3A = arith.constant 1 : i32
        %ge3A_65 = arith.cmpi sge, %scan3A_33, %ge3A : i32
        %convert_element_type3A_66 = arith.extui %ge3A_65 : i1 to i32
        %cond3A_67 = arith.constant 0 : i32
        %cond3A_68 = arith.cmpi ne, %convert_element_type3A_66, %cond3A_67 : i32
        scf.if %cond3A_68 {
          %dma_wait3A_88 = arith.constant 0 : i32
          %dma_wait3A_89 = tpu.memref_slice %arg4[%mul3A_2, %dma_wait3A_88] : memref<16384x768xf32, #tpu.memory_space<hbm>> -> memref<32x768xf32, #tpu.memory_space<hbm>>
          %dma_wait3A_90 = arith.constant 0 : i32
          %dma_wait3A_91 = tpu.memref_slice %arg4[%mul3A_2, %dma_wait3A_90] : memref<16384x768xf32, #tpu.memory_space<hbm>> -> memref<32x768xf32, #tpu.memory_space<hbm>>
          tpu.wait_dma2 semaphore(%arg16 : memref<!tpu.dma_semaphore, #tpu.memory_space<semaphore_mem>>) src(%arg6 : memref<32x768xf32, #tpu.memory_space<vmem>>) dst(%dma_wait3A_91 : memref<32x768xf32, #tpu.memory_space<hbm>>)
        } else {
        }
        %add3A_69 = arith.constant 5 : i32
        %add3A_70 = arith.addi %scan3A_33, %add3A_69 : i32
        %sub3A = arith.constant 1 : i32
        %sub3A_71 = arith.subi %add3A_70, %sub3A : i32
        %lt3A = arith.constant 16 : i32
        %lt3A_72 = arith.cmpi slt, %sub3A_71, %lt3A : i32
        %convert_element_type3A_73 = arith.extui %lt3A_72 : i1 to i32
        %cond3A_74 = arith.constant 0 : i32
        %cond3A_75 = arith.cmpi ne, %convert_element_type3A_73, %cond3A_74 : i32
        scf.if %cond3A_75 {
          %add3A_88 = arith.constant 5 : i32
          %add3A_89 = arith.addi %scan3A_33, %add3A_88 : i32
          %sub3A_90 = arith.constant 1 : i32
          %sub3A_91 = arith.subi %add3A_89, %sub3A_90 : i32
          %mul3A_92 = arith.constant 32 : i32
          %mul3A_93 = arith.muli %sub3A_91, %mul3A_92 : i32
          %multiple_of3A_94 = tpu.assume_multiple %mul3A_93, 8 : i32
          %dma_start3A_95 = tpu.memref_slice %arg5[%multiple_of3A_94] : memref<512xi32, #tpu.memory_space<vmem>> -> memref<32xi32, #tpu.memory_space<vmem>>
          %dma_start3A_96 = arith.constant 0 : i32
          %dma_start3A_97 = arith.constant 0 : i32
          %dma_start3A_98 = tpu.memref_slice %arg3[%dma_start3A_96, %dma_start3A_97] : memref<100000x768xf32, #tpu.memory_space<hbm>> -> memref<100000x768xf32, #tpu.memory_space<hbm>>
          tpu.enqueue_indirect_dma source(%dma_start3A_98 : memref<100000x768xf32, #tpu.memory_space<hbm>>) target(%arg6 : memref<32x768xf32, #tpu.memory_space<vmem>>) offsets(%dma_start3A_95 : memref<32xi32, #tpu.memory_space<vmem>>) semaphore(%arg11 : memref<!tpu.dma_semaphore, #tpu.memory_space<semaphore_mem>>)
        } else {
        }
        %dma_wait3A_76 = arith.constant 0 : i32
        %dma_wait3A_77 = tpu.memref_slice %arg5[%dma_wait3A_76] : memref<512xi32, #tpu.memory_space<vmem>> -> memref<32xi32, #tpu.memory_space<vmem>>
        %dma_wait3A_78 = arith.constant 0 : i32
        %dma_wait3A_79 = arith.constant 0 : i32
        %dma_wait3A_80 = tpu.memref_slice %arg3[%dma_wait3A_78, %dma_wait3A_79] : memref<100000x768xf32, #tpu.memory_space<hbm>> -> memref<100000x768xf32, #tpu.memory_space<hbm>>
        tpu.wait_indirect_dma semaphore(%arg12 : memref<!tpu.dma_semaphore, #tpu.memory_space<semaphore_mem>>) src(%dma_wait3A_80 : memref<100000x768xf32, #tpu.memory_space<hbm>>) dst(%arg7 : memref<32x768xf32, #tpu.memory_space<vmem>>)
        %mul3A_81 = arith.constant 32 : i32
        %mul3A_82 = arith.muli %scan3A_33, %mul3A_81 : i32
        %add3A_83 = arith.addi %mul3A_2, %mul3A_82 : i32
        %dma_start3A_84 = arith.constant 0 : i32
        %dma_start3A_85 = tpu.memref_slice %arg4[%add3A_83, %dma_start3A_84] : memref<16384x768xf32, #tpu.memory_space<hbm>> -> memref<32x768xf32, #tpu.memory_space<hbm>>
        %dma_start3A_86 = arith.constant 0 : i32
        %dma_start3A_87 = tpu.memref_slice %arg4[%add3A_83, %dma_start3A_86] : memref<16384x768xf32, #tpu.memory_space<hbm>> -> memref<32x768xf32, #tpu.memory_space<hbm>>
        tpu.enqueue_dma source(%arg7 : memref<32x768xf32, #tpu.memory_space<vmem>>) target(%dma_start3A_87 : memref<32x768xf32, #tpu.memory_space<hbm>>) target_semaphore(%arg17 : memref<!tpu.dma_semaphore, #tpu.memory_space<semaphore_mem>>)
      } else {
      }
      %rem3A_44 = arith.constant 5 : i32
      %rem3A_45 = arith.remsi %scan3A_33, %rem3A_44 : i32
      %eq3A_46 = arith.constant 2 : i32
      %eq3A_47 = arith.cmpi eq, %rem3A_45, %eq3A_46 : i32
      %convert_element_type3A_48 = arith.extui %eq3A_47 : i1 to i32
      %cond3A_49 = arith.constant 0 : i32
      %cond3A_50 = arith.cmpi ne, %convert_element_type3A_48, %cond3A_49 : i32
      scf.if %cond3A_50 {
        %ge3A = arith.constant 1 : i32
        %ge3A_65 = arith.cmpi sge, %scan3A_33, %ge3A : i32
        %convert_element_type3A_66 = arith.extui %ge3A_65 : i1 to i32
        %cond3A_67 = arith.constant 0 : i32
        %cond3A_68 = arith.cmpi ne, %convert_element_type3A_66, %cond3A_67 : i32
        scf.if %cond3A_68 {
          %dma_wait3A_88 = arith.constant 0 : i32
          %dma_wait3A_89 = tpu.memref_slice %arg4[%mul3A_2, %dma_wait3A_88] : memref<16384x768xf32, #tpu.memory_space<hbm>> -> memref<32x768xf32, #tpu.memory_space<hbm>>
          %dma_wait3A_90 = arith.constant 0 : i32
          %dma_wait3A_91 = tpu.memref_slice %arg4[%mul3A_2, %dma_wait3A_90] : memref<16384x768xf32, #tpu.memory_space<hbm>> -> memref<32x768xf32, #tpu.memory_space<hbm>>
          tpu.wait_dma2 semaphore(%arg17 : memref<!tpu.dma_semaphore, #tpu.memory_space<semaphore_mem>>) src(%arg7 : memref<32x768xf32, #tpu.memory_space<vmem>>) dst(%dma_wait3A_91 : memref<32x768xf32, #tpu.memory_space<hbm>>)
        } else {
        }
        %add3A_69 = arith.constant 5 : i32
        %add3A_70 = arith.addi %scan3A_33, %add3A_69 : i32
        %sub3A = arith.constant 1 : i32
        %sub3A_71 = arith.subi %add3A_70, %sub3A : i32
        %lt3A = arith.constant 16 : i32
        %lt3A_72 = arith.cmpi slt, %sub3A_71, %lt3A : i32
        %convert_element_type3A_73 = arith.extui %lt3A_72 : i1 to i32
        %cond3A_74 = arith.constant 0 : i32
        %cond3A_75 = arith.cmpi ne, %convert_element_type3A_73, %cond3A_74 : i32
        scf.if %cond3A_75 {
          %add3A_88 = arith.constant 5 : i32
          %add3A_89 = arith.addi %scan3A_33, %add3A_88 : i32
          %sub3A_90 = arith.constant 1 : i32
          %sub3A_91 = arith.subi %add3A_89, %sub3A_90 : i32
          %mul3A_92 = arith.constant 32 : i32
          %mul3A_93 = arith.muli %sub3A_91, %mul3A_92 : i32
          %multiple_of3A_94 = tpu.assume_multiple %mul3A_93, 8 : i32
          %dma_start3A_95 = tpu.memref_slice %arg5[%multiple_of3A_94] : memref<512xi32, #tpu.memory_space<vmem>> -> memref<32xi32, #tpu.memory_space<vmem>>
          %dma_start3A_96 = arith.constant 0 : i32
          %dma_start3A_97 = arith.constant 0 : i32
          %dma_start3A_98 = tpu.memref_slice %arg3[%dma_start3A_96, %dma_start3A_97] : memref<100000x768xf32, #tpu.memory_space<hbm>> -> memref<100000x768xf32, #tpu.memory_space<hbm>>
          tpu.enqueue_indirect_dma source(%dma_start3A_98 : memref<100000x768xf32, #tpu.memory_space<hbm>>) target(%arg7 : memref<32x768xf32, #tpu.memory_space<vmem>>) offsets(%dma_start3A_95 : memref<32xi32, #tpu.memory_space<vmem>>) semaphore(%arg12 : memref<!tpu.dma_semaphore, #tpu.memory_space<semaphore_mem>>)
        } else {
        }
        %dma_wait3A_76 = arith.constant 0 : i32
        %dma_wait3A_77 = tpu.memref_slice %arg5[%dma_wait3A_76] : memref<512xi32, #tpu.memory_space<vmem>> -> memref<32xi32, #tpu.memory_space<vmem>>
        %dma_wait3A_78 = arith.constant 0 : i32
        %dma_wait3A_79 = arith.constant 0 : i32
        %dma_wait3A_80 = tpu.memref_slice %arg3[%dma_wait3A_78, %dma_wait3A_79] : memref<100000x768xf32, #tpu.memory_space<hbm>> -> memref<100000x768xf32, #tpu.memory_space<hbm>>
        tpu.wait_indirect_dma semaphore(%arg13 : memref<!tpu.dma_semaphore, #tpu.memory_space<semaphore_mem>>) src(%dma_wait3A_80 : memref<100000x768xf32, #tpu.memory_space<hbm>>) dst(%arg8 : memref<32x768xf32, #tpu.memory_space<vmem>>)
        %mul3A_81 = arith.constant 32 : i32
        %mul3A_82 = arith.muli %scan3A_33, %mul3A_81 : i32
        %add3A_83 = arith.addi %mul3A_2, %mul3A_82 : i32
        %dma_start3A_84 = arith.constant 0 : i32
        %dma_start3A_85 = tpu.memref_slice %arg4[%add3A_83, %dma_start3A_84] : memref<16384x768xf32, #tpu.memory_space<hbm>> -> memref<32x768xf32, #tpu.memory_space<hbm>>
        %dma_start3A_86 = arith.constant 0 : i32
        %dma_start3A_87 = tpu.memref_slice %arg4[%add3A_83, %dma_start3A_86] : memref<16384x768xf32, #tpu.memory_space<hbm>> -> memref<32x768xf32, #tpu.memory_space<hbm>>
        tpu.enqueue_dma source(%arg8 : memref<32x768xf32, #tpu.memory_space<vmem>>) target(%dma_start3A_87 : memref<32x768xf32, #tpu.memory_space<hbm>>) target_semaphore(%arg18 : memref<!tpu.dma_semaphore, #tpu.memory_space<semaphore_mem>>)
      } else {
      }
      %rem3A_51 = arith.constant 5 : i32
      %rem3A_52 = arith.remsi %scan3A_33, %rem3A_51 : i32
      %eq3A_53 = arith.constant 3 : i32
      %eq3A_54 = arith.cmpi eq, %rem3A_52, %eq3A_53 : i32
      %convert_element_type3A_55 = arith.extui %eq3A_54 : i1 to i32
      %cond3A_56 = arith.constant 0 : i32
      %cond3A_57 = arith.cmpi ne, %convert_element_type3A_55, %cond3A_56 : i32
      scf.if %cond3A_57 {
        %ge3A = arith.constant 1 : i32
        %ge3A_65 = arith.cmpi sge, %scan3A_33, %ge3A : i32
        %convert_element_type3A_66 = arith.extui %ge3A_65 : i1 to i32
        %cond3A_67 = arith.constant 0 : i32
        %cond3A_68 = arith.cmpi ne, %convert_element_type3A_66, %cond3A_67 : i32
        scf.if %cond3A_68 {
          %dma_wait3A_88 = arith.constant 0 : i32
          %dma_wait3A_89 = tpu.memref_slice %arg4[%mul3A_2, %dma_wait3A_88] : memref<16384x768xf32, #tpu.memory_space<hbm>> -> memref<32x768xf32, #tpu.memory_space<hbm>>
          %dma_wait3A_90 = arith.constant 0 : i32
          %dma_wait3A_91 = tpu.memref_slice %arg4[%mul3A_2, %dma_wait3A_90] : memref<16384x768xf32, #tpu.memory_space<hbm>> -> memref<32x768xf32, #tpu.memory_space<hbm>>
          tpu.wait_dma2 semaphore(%arg18 : memref<!tpu.dma_semaphore, #tpu.memory_space<semaphore_mem>>) src(%arg8 : memref<32x768xf32, #tpu.memory_space<vmem>>) dst(%dma_wait3A_91 : memref<32x768xf32, #tpu.memory_space<hbm>>)
        } else {
        }
        %add3A_69 = arith.constant 5 : i32
        %add3A_70 = arith.addi %scan3A_33, %add3A_69 : i32
        %sub3A = arith.constant 1 : i32
        %sub3A_71 = arith.subi %add3A_70, %sub3A : i32
        %lt3A = arith.constant 16 : i32
        %lt3A_72 = arith.cmpi slt, %sub3A_71, %lt3A : i32
        %convert_element_type3A_73 = arith.extui %lt3A_72 : i1 to i32
        %cond3A_74 = arith.constant 0 : i32
        %cond3A_75 = arith.cmpi ne, %convert_element_type3A_73, %cond3A_74 : i32
        scf.if %cond3A_75 {
          %add3A_88 = arith.constant 5 : i32
          %add3A_89 = arith.addi %scan3A_33, %add3A_88 : i32
          %sub3A_90 = arith.constant 1 : i32
          %sub3A_91 = arith.subi %add3A_89, %sub3A_90 : i32
          %mul3A_92 = arith.constant 32 : i32
          %mul3A_93 = arith.muli %sub3A_91, %mul3A_92 : i32
          %multiple_of3A_94 = tpu.assume_multiple %mul3A_93, 8 : i32
          %dma_start3A_95 = tpu.memref_slice %arg5[%multiple_of3A_94] : memref<512xi32, #tpu.memory_space<vmem>> -> memref<32xi32, #tpu.memory_space<vmem>>
          %dma_start3A_96 = arith.constant 0 : i32
          %dma_start3A_97 = arith.constant 0 : i32
          %dma_start3A_98 = tpu.memref_slice %arg3[%dma_start3A_96, %dma_start3A_97] : memref<100000x768xf32, #tpu.memory_space<hbm>> -> memref<100000x768xf32, #tpu.memory_space<hbm>>
          tpu.enqueue_indirect_dma source(%dma_start3A_98 : memref<100000x768xf32, #tpu.memory_space<hbm>>) target(%arg8 : memref<32x768xf32, #tpu.memory_space<vmem>>) offsets(%dma_start3A_95 : memref<32xi32, #tpu.memory_space<vmem>>) semaphore(%arg13 : memref<!tpu.dma_semaphore, #tpu.memory_space<semaphore_mem>>)
        } else {
        }
        %dma_wait3A_76 = arith.constant 0 : i32
        %dma_wait3A_77 = tpu.memref_slice %arg5[%dma_wait3A_76] : memref<512xi32, #tpu.memory_space<vmem>> -> memref<32xi32, #tpu.memory_space<vmem>>
        %dma_wait3A_78 = arith.constant 0 : i32
        %dma_wait3A_79 = arith.constant 0 : i32
        %dma_wait3A_80 = tpu.memref_slice %arg3[%dma_wait3A_78, %dma_wait3A_79] : memref<100000x768xf32, #tpu.memory_space<hbm>> -> memref<100000x768xf32, #tpu.memory_space<hbm>>
        tpu.wait_indirect_dma semaphore(%arg14 : memref<!tpu.dma_semaphore, #tpu.memory_space<semaphore_mem>>) src(%dma_wait3A_80 : memref<100000x768xf32, #tpu.memory_space<hbm>>) dst(%arg9 : memref<32x768xf32, #tpu.memory_space<vmem>>)
        %mul3A_81 = arith.constant 32 : i32
        %mul3A_82 = arith.muli %scan3A_33, %mul3A_81 : i32
        %add3A_83 = arith.addi %mul3A_2, %mul3A_82 : i32
        %dma_start3A_84 = arith.constant 0 : i32
        %dma_start3A_85 = tpu.memref_slice %arg4[%add3A_83, %dma_start3A_84] : memref<16384x768xf32, #tpu.memory_space<hbm>> -> memref<32x768xf32, #tpu.memory_space<hbm>>
        %dma_start3A_86 = arith.constant 0 : i32
        %dma_start3A_87 = tpu.memref_slice %arg4[%add3A_83, %dma_start3A_86] : memref<16384x768xf32, #tpu.memory_space<hbm>> -> memref<32x768xf32, #tpu.memory_space<hbm>>
        tpu.enqueue_dma source(%arg9 : memref<32x768xf32, #tpu.memory_space<vmem>>) target(%dma_start3A_87 : memref<32x768xf32, #tpu.memory_space<hbm>>) target_semaphore(%arg19 : memref<!tpu.dma_semaphore, #tpu.memory_space<semaphore_mem>>)
      } else {
      }
      %rem3A_58 = arith.constant 5 : i32
      %rem3A_59 = arith.remsi %scan3A_33, %rem3A_58 : i32
      %eq3A_60 = arith.constant 4 : i32
      %eq3A_61 = arith.cmpi eq, %rem3A_59, %eq3A_60 : i32
      %convert_element_type3A_62 = arith.extui %eq3A_61 : i1 to i32
      %cond3A_63 = arith.constant 0 : i32
      %cond3A_64 = arith.cmpi ne, %convert_element_type3A_62, %cond3A_63 : i32
      scf.if %cond3A_64 {
        %ge3A = arith.constant 1 : i32
        %ge3A_65 = arith.cmpi sge, %scan3A_33, %ge3A : i32
        %convert_element_type3A_66 = arith.extui %ge3A_65 : i1 to i32
        %cond3A_67 = arith.constant 0 : i32
        %cond3A_68 = arith.cmpi ne, %convert_element_type3A_66, %cond3A_67 : i32
        scf.if %cond3A_68 {
          %dma_wait3A_88 = arith.constant 0 : i32
          %dma_wait3A_89 = tpu.memref_slice %arg4[%mul3A_2, %dma_wait3A_88] : memref<16384x768xf32, #tpu.memory_space<hbm>> -> memref<32x768xf32, #tpu.memory_space<hbm>>
          %dma_wait3A_90 = arith.constant 0 : i32
          %dma_wait3A_91 = tpu.memref_slice %arg4[%mul3A_2, %dma_wait3A_90] : memref<16384x768xf32, #tpu.memory_space<hbm>> -> memref<32x768xf32, #tpu.memory_space<hbm>>
          tpu.wait_dma2 semaphore(%arg19 : memref<!tpu.dma_semaphore, #tpu.memory_space<semaphore_mem>>) src(%arg9 : memref<32x768xf32, #tpu.memory_space<vmem>>) dst(%dma_wait3A_91 : memref<32x768xf32, #tpu.memory_space<hbm>>)
        } else {
        }
        %add3A_69 = arith.constant 5 : i32
        %add3A_70 = arith.addi %scan3A_33, %add3A_69 : i32
        %sub3A = arith.constant 1 : i32
        %sub3A_71 = arith.subi %add3A_70, %sub3A : i32
        %lt3A = arith.constant 16 : i32
        %lt3A_72 = arith.cmpi slt, %sub3A_71, %lt3A : i32
        %convert_element_type3A_73 = arith.extui %lt3A_72 : i1 to i32
        %cond3A_74 = arith.constant 0 : i32
        %cond3A_75 = arith.cmpi ne, %convert_element_type3A_73, %cond3A_74 : i32
        scf.if %cond3A_75 {
          %add3A_88 = arith.constant 5 : i32
          %add3A_89 = arith.addi %scan3A_33, %add3A_88 : i32
          %sub3A_90 = arith.constant 1 : i32
          %sub3A_91 = arith.subi %add3A_89, %sub3A_90 : i32
          %mul3A_92 = arith.constant 32 : i32
          %mul3A_93 = arith.muli %sub3A_91, %mul3A_92 : i32
          %multiple_of3A_94 = tpu.assume_multiple %mul3A_93, 8 : i32
          %dma_start3A_95 = tpu.memref_slice %arg5[%multiple_of3A_94] : memref<512xi32, #tpu.memory_space<vmem>> -> memref<32xi32, #tpu.memory_space<vmem>>
          %dma_start3A_96 = arith.constant 0 : i32
          %dma_start3A_97 = arith.constant 0 : i32
          %dma_start3A_98 = tpu.memref_slice %arg3[%dma_start3A_96, %dma_start3A_97] : memref<100000x768xf32, #tpu.memory_space<hbm>> -> memref<100000x768xf32, #tpu.memory_space<hbm>>
          tpu.enqueue_indirect_dma source(%dma_start3A_98 : memref<100000x768xf32, #tpu.memory_space<hbm>>) target(%arg9 : memref<32x768xf32, #tpu.memory_space<vmem>>) offsets(%dma_start3A_95 : memref<32xi32, #tpu.memory_space<vmem>>) semaphore(%arg14 : memref<!tpu.dma_semaphore, #tpu.memory_space<semaphore_mem>>)
        } else {
        }
        %dma_wait3A_76 = arith.constant 0 : i32
        %dma_wait3A_77 = tpu.memref_slice %arg5[%dma_wait3A_76] : memref<512xi32, #tpu.memory_space<vmem>> -> memref<32xi32, #tpu.memory_space<vmem>>
        %dma_wait3A_78 = arith.constant 0 : i32
        %dma_wait3A_79 = arith.constant 0 : i32
        %dma_wait3A_80 = tpu.memref_slice %arg3[%dma_wait3A_78, %dma_wait3A_79] : memref<100000x768xf32, #tpu.memory_space<hbm>> -> memref<100000x768xf32, #tpu.memory_space<hbm>>
        tpu.wait_indirect_dma semaphore(%arg15 : memref<!tpu.dma_semaphore, #tpu.memory_space<semaphore_mem>>) src(%dma_wait3A_80 : memref<100000x768xf32, #tpu.memory_space<hbm>>) dst(%arg10 : memref<32x768xf32, #tpu.memory_space<vmem>>)
        %mul3A_81 = arith.constant 32 : i32
        %mul3A_82 = arith.muli %scan3A_33, %mul3A_81 : i32
        %add3A_83 = arith.addi %mul3A_2, %mul3A_82 : i32
        %dma_start3A_84 = arith.constant 0 : i32
        %dma_start3A_85 = tpu.memref_slice %arg4[%add3A_83, %dma_start3A_84] : memref<16384x768xf32, #tpu.memory_space<hbm>> -> memref<32x768xf32, #tpu.memory_space<hbm>>
        %dma_start3A_86 = arith.constant 0 : i32
        %dma_start3A_87 = tpu.memref_slice %arg4[%add3A_83, %dma_start3A_86] : memref<16384x768xf32, #tpu.memory_space<hbm>> -> memref<32x768xf32, #tpu.memory_space<hbm>>
        tpu.enqueue_dma source(%arg10 : memref<32x768xf32, #tpu.memory_space<vmem>>) target(%dma_start3A_87 : memref<32x768xf32, #tpu.memory_space<hbm>>) target_semaphore(%arg20 : memref<!tpu.dma_semaphore, #tpu.memory_space<semaphore_mem>>)
      } else {
      }
    }
    %scan3A_29 = arith.constant 16 : i32
    %dma_wait3A = arith.constant 0 : i32
    %dma_wait3A_30 = tpu.memref_slice %arg4[%mul3A_2, %dma_wait3A] : memref<16384x768xf32, #tpu.memory_space<hbm>> -> memref<32x768xf32, #tpu.memory_space<hbm>>
    %dma_wait3A_31 = arith.constant 0 : i32
    %dma_wait3A_32 = tpu.memref_slice %arg4[%mul3A_2, %dma_wait3A_31] : memref<16384x768xf32, #tpu.memory_space<hbm>> -> memref<32x768xf32, #tpu.memory_space<hbm>>
    tpu.wait_dma2 semaphore(%arg16 : memref<!tpu.dma_semaphore, #tpu.memory_space<semaphore_mem>>) src(%arg6 : memref<32x768xf32, #tpu.memory_space<vmem>>) dst(%dma_wait3A_32 : memref<32x768xf32, #tpu.memory_space<hbm>>)
    return
  }
}

module attributes {stable_mosaic.version = 14 : i64} {
  func.func @_proj_body(%arg0: i32, %arg1: memref<1x4096xf32, #tpu.memory_space<vmem>>, %arg2: memref<4096x768xf32, #tpu.memory_space<vmem>>, %arg3: memref<128x1536xf32, #tpu.memory_space<vmem>>, %arg4: memref<1x768xf32, #tpu.memory_space<vmem>>, %arg5: memref<1x768xf32, #tpu.memory_space<vmem>>, %arg6: memref<1x128xf32, #tpu.memory_space<vmem>>, %arg7: memref<4096x128xf32, #tpu.memory_space<vmem>>) attributes {dimension_semantics = [#tpu.dimension_semantics<arbitrary>], iteration_bounds = array<i64: 4>, scalar_prefetch = 0 : i64, scratch_operands = 0 : i64, tpu.core_type = #tpu.core_type<tc>, window_params = [{transform_indices = @transform_0, window_bounds = array<i64: 1, 4096>}, {transform_indices = @transform_1, window_bounds = array<i64: 4096, 768>}, {pipeline_mode = #tpu.pipeline_mode<synchronous>, transform_indices = @transform_2, window_bounds = array<i64: 128, 1536>}, {pipeline_mode = #tpu.pipeline_mode<synchronous>, transform_indices = @transform_3, window_bounds = array<i64: 1, 768>}, {pipeline_mode = #tpu.pipeline_mode<synchronous>, transform_indices = @transform_4, window_bounds = array<i64: 1, 768>}, {pipeline_mode = #tpu.pipeline_mode<synchronous>, transform_indices = @transform_5, window_bounds = array<i64: 1, 128>}, {transform_indices = @transform_6, window_bounds = array<i64: 4096, 128>}]} {
    %get3A = arith.constant 0 : index
    %get3A_0 = arith.constant 0 : index
    %get3A_1 = vector.load %arg3[%get3A, %get3A_0] : memref<128x1536xf32, #tpu.memory_space<vmem>>, vector<128x768xf32>
    %get3A_2 = arith.constant 0 : index
    %get3A_3 = arith.constant 768 : index
    %get3A_4 = vector.load %arg3[%get3A_2, %get3A_3] : memref<128x1536xf32, #tpu.memory_space<vmem>>, vector<128x768xf32>
    %get3A_5 = arith.constant 0 : index
    %get3A_6 = arith.constant 0 : index
    %get3A_7 = vector.load %arg4[%get3A_5, %get3A_6] : memref<1x768xf32, #tpu.memory_space<vmem>>, vector<1x768xf32>
    %dot_general3A = arith.constant dense<0.000000e+00> : vector<1x128xf32>
    %dot_general3A_8 = tpu.matmul %get3A_7, %get3A_1, %dot_general3A {dimension_numbers = #tpu.dot_dimension_numbers<[1], [1], [0], [0], [0, 0, 1, 0], [], []>, transpose_lhs_hint = false} : vector<1x768xf32>, vector<128x768xf32>, vector<1x128xf32> -> vector<1x128xf32>
    %get3A_9 = arith.constant 0 : index
    %get3A_10 = arith.constant 0 : index
    %get3A_11 = vector.load %arg5[%get3A_9, %get3A_10] : memref<1x768xf32, #tpu.memory_space<vmem>>, vector<1x768xf32>
    %dot_general3A_12 = arith.constant dense<0.000000e+00> : vector<1x128xf32>
    %dot_general3A_13 = tpu.matmul %get3A_11, %get3A_1, %dot_general3A_12 {dimension_numbers = #tpu.dot_dimension_numbers<[1], [1], [0], [0], [0, 0, 1, 0], [], []>, transpose_lhs_hint = false} : vector<1x768xf32>, vector<128x768xf32>, vector<1x128xf32> -> vector<1x128xf32>
    %get3A_14 = arith.constant 0 : index
    %get3A_15 = arith.constant 0 : index
    %get3A_16 = vector.load %arg6[%get3A_14, %get3A_15] : memref<1x128xf32, #tpu.memory_space<vmem>>, vector<1x128xf32>
    %add3A = arith.addf %dot_general3A_13, %get3A_16 : vector<1x128xf32>
    %get3A_17 = arith.constant 0 : index
    %get3A_18 = arith.constant 0 : index
    %get3A_19 = vector.load %arg2[%get3A_17, %get3A_18] : memref<4096x768xf32, #tpu.memory_space<vmem>>, vector<4096x768xf32>
    %dot_general3A_20 = arith.constant dense<0.000000e+00> : vector<4096x128xf32>
    %dot_general3A_21 = tpu.matmul %get3A_19, %get3A_4, %dot_general3A_20 {dimension_numbers = #tpu.dot_dimension_numbers<[1], [1], [0], [0], [0, 0, 1, 0], [], []>, transpose_lhs_hint = false} : vector<4096x768xf32>, vector<128x768xf32>, vector<4096x128xf32> -> vector<4096x128xf32>
    %get3A_22 = arith.constant 0 : index
    %get3A_23 = arith.constant 0 : index
    %get3A_24 = vector.load %arg1[%get3A_22, %get3A_23] : memref<1x4096xf32, #tpu.memory_space<vmem>>, vector<1x4096xf32>
    %dot_general3A_25 = arith.constant dense<0.000000e+00> : vector<4096x128xf32>
    %dot_general3A_26 = tpu.matmul %get3A_24, %dot_general3A_8, %dot_general3A_25 {dimension_numbers = #tpu.dot_dimension_numbers<[0], [0], [1], [1], [0, 1, 1, 1], [], []>, transpose_lhs_hint = false} : vector<1x4096xf32>, vector<1x128xf32>, vector<4096x128xf32> -> vector<4096x128xf32>
    %add3A_27 = arith.addf %dot_general3A_21, %dot_general3A_26 : vector<4096x128xf32>
    %add3A_28 = vector.broadcast %add3A : vector<1x128xf32> to vector<4096x128xf32>
    %add3A_29 = arith.addf %add3A_27, %add3A_28 : vector<4096x128xf32>
    %swap3A = arith.constant 0 : index
    %swap3A_30 = arith.constant 0 : index
    %swap3A_31 = vector.load %arg7[%swap3A, %swap3A_30] : memref<4096x128xf32, #tpu.memory_space<vmem>>, vector<4096x128xf32>
    tpu.vector_store %arg7[%swap3A, %swap3A_30], %add3A_29 {strides = array<i32>} : memref<4096x128xf32, #tpu.memory_space<vmem>>, vector<4096x128xf32>,
    return
  }
  func.func @transform_0(%arg0: i32) -> (i32, i32) {
    %c0_i32 = arith.constant 0 : i32
    %c0_i32_0 = arith.constant 0 : i32
    return %c0_i32, %arg0 : i32, i32
  }
  func.func @transform_1(%arg0: i32) -> (i32, i32) {
    %c0_i32 = arith.constant 0 : i32
    %c0_i32_0 = arith.constant 0 : i32
    return %arg0, %c0_i32 : i32, i32
  }
  func.func @transform_2(%arg0: i32) -> (i32, i32) {
    %c0_i32 = arith.constant 0 : i32
    %c0_i32_0 = arith.constant 0 : i32
    %c0_i32_1 = arith.constant 0 : i32
    return %c0_i32, %c0_i32_0 : i32, i32
  }
  func.func @transform_3(%arg0: i32) -> (i32, i32) {
    %c0_i32 = arith.constant 0 : i32
    %c0_i32_0 = arith.constant 0 : i32
    %c0_i32_1 = arith.constant 0 : i32
    return %c0_i32, %c0_i32_0 : i32, i32
  }
  func.func @transform_4(%arg0: i32) -> (i32, i32) {
    %c0_i32 = arith.constant 0 : i32
    %c0_i32_0 = arith.constant 0 : i32
    %c0_i32_1 = arith.constant 0 : i32
    return %c0_i32, %c0_i32_0 : i32, i32
  }
  func.func @transform_5(%arg0: i32) -> (i32, i32) {
    %c0_i32 = arith.constant 0 : i32
    %c0_i32_0 = arith.constant 0 : i32
    %c0_i32_1 = arith.constant 0 : i32
    return %c0_i32, %c0_i32_0 : i32, i32
  }
  func.func @transform_6(%arg0: i32) -> (i32, i32) {
    %c0_i32 = arith.constant 0 : i32
    %c0_i32_0 = arith.constant 0 : i32
    return %arg0, %c0_i32 : i32, i32
  }
}

</mosaic_0001>

<sc_bundles>
// kernel: kernel.4.cloned.1.call-start
scs
__scs_entry_jumppad:
0x0: {  	(pc) =	sbr.rel $0x88, $3  }
0x1: {  	(tag) =	ssettag $0x0;
	lr =	simm.s32 $0x1  }
0x2: {  	[smem:$0x3F9A] =	sst lr;
	_ =	strace $0xD0000000  }
0x3: {  	_ = 	snop  }
0x4: {  	_ = 	snop  }
0x5: {  	_ = 	snop  }
0x6: {  	_ = 	snop  }
0x7: {  	_ = 	snop  }
__scs_overlays_trampoline_lowered:
0x8: {  	[smem:$0x3FA9] =	sst s0  }
0x9: {  	[smem:$0x3FAA] =	sst s1  }
0xa: {  	[smem:$0x3FAB] =	sst s2  }
0xb: {  	[smem:$0x3FAC] =	sst s3  }
0xc: {  	[smem:$0x3FAD] =	sst s4  }
0xd: {  	[smem:$0x3FAE] =	sst s5  }
0xe: {  	[smem:$0x3FAF] =	sst s6  }
0xf: {  	[smem:$0x3FB0] =	sst s7  }
0x10: {  	[smem:$0x3FB1] =	sst s8  }
0x11: {  	[smem:$0x3FB2] =	sst s9;
	s0 =	simm.s32 @!p0 $0x0  }
0x12: {  	s1 =	sld [smem:$0x3F98];
	s0 =	simm.s32 @p0 $0x1  }
0x13: {  	[smem:$0x3FB3] =	sst s0;
	s0 =	simm.s32 @!p1 $0x0  }
0x14: {  	s2 =	sld [smem:$0x3F97];
	s0 =	simm.s32 @p1 $0x1  }
0x15: {  	[smem:$0x3FB4] =	sst s0;
	s0 =	simm.s32 @!p2 $0x0  }
0x16: {  	s3 =	sld [smem:$0x3FDB];
	s0 =	simm.s32 @p2 $0x1  }
0x17: {  	s4 =	simm.s32 $0x1BF5;
	[smem:$0x3FB6] =	sst s0  }
0x18: {  	s0 =	sld [smem:$0x3F99];
	_ =	swait.ge [sflag:s4], $0x0  }
0x19: {  	s7 =	sld [smem:$0x3F9A]  }
0x1a: {  	s8 =	sadd.s32 $0xFFFFE003, lr  }
0x1b: {  	s9 =	sadd.s32 $0xFFFFFEF7, lr;
	s5 =	simm.s32 $0xFFFFFFFF;
	p2 =	slt.u32 s8, $0xFFFFF086  }
0x1c: {  	p1 =	slt.u32 s9, $0xF7A;
	s5 =	simm.s32 @!p2 $0x0  }
0x1d: {  	s5 =	simm.s32 @p1 $0x1;
	p0 =	seq.s32 s7, s2  }
0x1e: {  	s7 =	smul.u32 @!p0 $0xF7A, s2;
	p2 =	seq.s32 @!p0 s5, $0x0  }
0x1f: {  	s9 =	smul.u32 $0xF7A, s1;
	s8 =	simm.s32 @!p0 $0x1BF5;
	p2 =	por !p2, p0  }
0x20: {  	[sflag:s8] =	ssyncset.s32 @!p0 $0xFFFFF086;
	s6 =	sadd.s32 @!p0 s3, s7;
	s7 =	simm.s32 @!p0 $0x108  }
0x21: {  	s3 =	sadd.s32 s3, s9;
	s6 =	sadd.s32 @!p0 $0x88, s6;
	s7 =	simm.s32 @p2 $0x1082  }
0x22: {  	[simem:s7], [sflag:s8] =	dma.local @!p0 [hbm:s6], $0xF7A  }
0x23: {  	s9 =	sor.u32 $0xD0000000, s2;
	s6 =	simm.s32 $0x108;
	_ =	swait.ge @!p0 [sflag:s8], $0x0  }
0x24: {  	s3 =	sadd.s32 $0x88, s3;
	s6 =	simm.s32 @!p1 $0x1082;
	[sflag:s4] =	ssyncset.s32 $0xFFFFF086  }
0x25: {  	[simem:s6], [sflag:s4] =	dma.local [hbm:s3], $0xF7A  }
0x26: {  	[smem:$0x3F9A] =	sst s1;
	(tag) =	ssettag s2;
	_ =	strace s9  }
0x27: {  	s1 =	sld [smem:$0x3FAA]  }
0x28: {  	s2 =	sld [smem:$0x3FAB]  }
0x29: {  	s4 =	sld [smem:$0x3FAD]  }
0x2a: {  	p0 =	seq.s32 s5, $0x0;
	s5 =	sld [smem:$0x3FAE]  }
0x2b: {  	s6 =	sld [smem:$0x3FAF]  }
0x2c: {  	s7 =	sld [smem:$0x3FB0]  }
0x2d: {  	s3 =	simm.s32 $0x108;
	s8 =	sld [smem:$0x3FB1]  }
0x2e: {  	s3 =	simm.s32 @!p0 $0x1082;
	s9 =	sld [smem:$0x3FB2]  }
0x2f: {  	lr =	sadd.s32 s0, s3;
	s0 =	sld [smem:$0x3FA9]  }
0x30: {  	s3 =	sld [smem:$0x3FAC]  }
0x31: {  	[smem:$0x3FB5] =	sst s10  }
0x32: {  	s10 =	sld [smem:$0x3FB3];
	_ =	sdelay $0x3  }
0x33: {  	p0 =	seq.s32 s10, $0x1;
	s10 =	sld [smem:$0x3FB5];
	_ =	sdelay $0x3  }
0x34: {  	[smem:$0x3FB5] =	sst s10  }
0x35: {  	s10 =	sld [smem:$0x3FB4];
	_ =	sdelay $0x3  }
0x36: {  	p1 =	seq.s32 s10, $0x1;
	s10 =	sld [smem:$0x3FB5];
	_ =	sdelay $0x3  }
0x37: {  	[smem:$0x3FB5] =	sst s10  }
0x38: {  	s10 =	sld [smem:$0x3FB6]  }
0x39: {  	_ = 	snop;
	(pc) =	sbr.ind lr, $3  }
0x3a: {  	_ = 	snop  }
0x3b: {  	_ = 	snop  }
0x3c: {  	p2 =	seq.s32 s10, $0x1;
	s10 =	sld [smem:$0x3FB5]  }
0x3d: {  	_ =	shalt  }
0x3e: {  	_ =	shalt  }
0x3f: {  	_ =	shalt  }
0x40: {  	_ =	shalt  }
0x41: {  	_ =	shalt  }
0x42: {  	_ =	shalt  }
0x43: {  	_ =	shalt  }
0x44: {  	_ =	shalt  }
0x45: {  	_ =	shalt  }
0x46: {  	_ =	shalt  }
0x47: {  	_ =	shalt  }
0x48: {  	_ =	shalt  }
0x49: {  	_ =	shalt  }
0x4a: {  	_ =	shalt  }
0x4b: {  	_ =	shalt  }
0x4c: {  	_ =	shalt  }
0x4d: {  	_ =	shalt  }
0x4e: {  	_ =	shalt  }
0x4f: {  	_ =	shalt  }
0x50: {  	_ =	shalt  }
0x51: {  	_ =	shalt  }
0x52: {  	_ =	shalt  }
0x53: {  	_ =	shalt  }
0x54: {  	_ =	shalt  }
0x55: {  	_ =	shalt  }
0x56: {  	_ =	shalt  }
0x57: {  	_ =	shalt  }
0x58: {  	_ =	shalt  }
0x59: {  	_ =	shalt  }
0x5a: {  	_ =	shalt  }
0x5b: {  	_ =	shalt  }
0x5c: {  	_ =	shalt  }
0x5d: {  	_ =	shalt  }
0x5e: {  	_ =	shalt  }
0x5f: {  	_ =	shalt  }
0x60: {  	_ =	shalt  }
0x61: {  	_ =	shalt  }
0x62: {  	_ =	shalt  }
0x63: {  	_ =	shalt  }
0x64: {  	_ =	shalt  }
0x65: {  	_ =	shalt  }
0x66: {  	_ =	shalt  }
0x67: {  	_ =	shalt  }
0x68: {  	_ =	shalt  }
0x69: {  	_ =	shalt  }
0x6a: {  	_ =	shalt  }
0x6b: {  	_ =	shalt  }
0x6c: {  	_ =	shalt  }
0x6d: {  	_ =	shalt  }
0x6e: {  	_ =	shalt  }
0x6f: {  	_ =	shalt  }
0x70: {  	_ =	shalt  }
0x71: {  	_ =	shalt  }
0x72: {  	_ =	shalt  }
0x73: {  	_ =	shalt  }
0x74: {  	_ =	shalt  }
0x75: {  	_ =	shalt  }
0x76: {  	_ =	shalt  }
0x77: {  	_ =	shalt  }
0x78: {  	_ =	shalt  }
0x79: {  	_ =	shalt  }
0x7a: {  	_ =	shalt  }
0x7b: {  	_ =	shalt  }
0x7c: {  	_ =	shalt  }
0x7d: {  	_ =	shalt  }
0x7e: {  	_ =	shalt  }
0x7f: {  	_ =	shalt  }
0x80: {  	_ =	shalt  }
0x81: {  	_ =	shalt  }
0x82: {  	_ =	shalt  }
0x83: {  	_ =	shalt  }
0x84: {  	_ =	shalt  }
0x85: {  	_ =	shalt  }
0x86: {  	_ =	shalt  }
0x87: {  	_ =	shalt  }
.Lfunc_end0:
.L_simem_size_0:
called_computation_lowered:
.L_overlay_start_0:
0x88: {  	s2 =	sld [smem:$0x3FD9]  }
0x89: {  	s3 =	sld [smem:$0x3FFE];
	_ =	sdelay $0x1  }
0x8a: {  	s1 =	srdreg.scid  }
0x8b: {  	s0 =	sand.u32 $0x1, s1  }
0x8c: {  	s17 =	sshll.u32 s0, $0xA;
	s2 =	sadd.s32 s3, s2  }
0x8d: {  	s2 =	sadd.s32 s2, s17  }
0x8e: {  	[smem:$0x3FC1] =	sst s2  }
0x8f: {  	_ = 	snop  }
0x90: {  	s2 =	sld [smem:$0x3FC9]  }
0x91: {  	s18 =	sld [smem:$0x3FC7];
	(tm) =	ssettm $0x1  }
0x92: {  	s4 =	sld [smem:$0x3FFB];
	_ =	sdelay $0x3  }
0x93: {  	_ =	strace s4  }
0x94: {  	s4 =	sld [smem:$0x3FFC];
	_ =	sdelay $0x3  }
0x95: {  	_ =	strace s4  }
0x96: {  	s4 =	sld [smem:$0x3FFD];
	_ =	sdelay $0x3  }
0x97: {  	_ =	strace s4  }
0x98: {  	_ =	strace $0x8FFFFFFF  }
0x99: {  	s19 =	sld [smem:$0x3FDB];
	_ =	sdelay $0x1  }
0x9a: {  	s5 =	simm.s32 $_scs_section_size  }
0x9b: {  	s6 =	simm.s32 $_size__tile_overlayer_lowered;
	s7 =	simm.s32 $_tile_overlayer_lowered  }
0x9c: {  	s22 =	simm.s32 $0x1BFF;
	s21 =	sshll.u32 s7, $0x1;
	s4 =	sadd.s32 s5, s19  }
0x9d: {  	s8 =	simm.s32 $0x0;
	s20 =	sshll.u32 s6, $0x1;
	s6 =	sadd.s32 s21, s4  }
0x9e: {  	[timem:s8], [sflag:s22] =	dma.local [hbm:s6], s20  }
0x9f: {  	_ =	swait.ge [sflag:s22], s20  }
0xa0: {  	s5 =	ssub.s32 $0x0, s20;
	[sflag:s22] =	ssyncset.done $0x0  }
0xa1: {  	[sflag:s22] =	ssyncadd.s32 s5;
	_ =	sdelay $0x1  }
0xa2: {  	s23 =	simm.s32 $0x1B8B  }
0xa3: {  	_ =	swait.ge [sflag:s23], $0x1  }
0xa4: {  	[sflag:s23] =	ssyncset.done $0x0  }
0xa5: {  	s25 =	simm.s32 $0x1B8E;
	s24 =	sld [smem:$0x3FFE];
	[sflag:s23] =	ssyncadd.s32 $0xFFFFFFFF  }
0xa6: {  	s26 =	simm.s32 $execute0_lowered;
	[smem:$0x3FD2] =	sst s25  }
0xa7: {  	s6 =	sshll.u32 s26, $0x1;
	_ =	strace $0x80000046;
	[dreg:$0x1] =	wrdreg $0xFFFFFFFF  }
0xa8: {  	s28 =	simm.s32 $_size_execute0_lowered;
	s4 =	sadd.s32 s4, s6;
	[dreg:$0x0] =	wrdreg $0x0  }
0xa9: {  	s6 =	sshll.u32 s28, $0x1;
	[dreg:$0x2] =	wrdreg s4  }
0xaa: {  	[dreg:$0x3] =	wrdreg s6  }
0xab: {  	[dreg:$0x4] =	wrdreg $0xC0  }
0xac: {  	_ =	task [dreg:s8], $0x5FFFF  }
0xad: {  	[dreg:$0x1] =	wrdreg $0xFFFFFFFF  }
0xae: {  	[dreg:$0x0] =	wrdreg $0x60  }
0xaf: {  	[dreg:$0x2] =	wrdreg s2  }
0xb0: {  	[dreg:$0x3] =	wrdreg s18  }
0xb1: {  	[dreg:$0x4] =	wrdreg s24  }
0xb2: {  	[dreg:$0x5] =	wrdreg $0x9  }
0xb3: {  	_ =	task.clear_ibuf [dreg:s8], $0x6FFFF;
	_ =	strace $0x90000046  }
0xb4: {  	s29 =	simm.s32 $0x9;
	_ =	strace $0x80000048  }
0xb5: {  	_ =	swait.ge [sflag:s29], $0x1  }
0xb6: {  	[sflag:s29] =	ssyncadd.s32 $0xFFFFFFFF  }
0xb7: {  	_ =	strace $0x90000048  }
0xb8: {  	_ =	sfence  }
0xb9: {  	s30 =	sld [smem:$0x0];
	_ =	sdelay $0x2  }
0xba: {  	s31 =	sshll.u32 s1, $0xD;
	s1 =	sshrl.u32 s1, $0x2  }
0xbb: {  	s3 =	sand.u32 $0x4000, s31;
	s1 =	sadd.s32 s1, s30  }
0xbc: {  	s0 =	sor.u32 s3, s0;
	s1 =	sshll.u32 s1, $0x11  }
0xbd: {  	s0 =	sor.u32 s1, s0  }
0xbe: {  	s0 =	sadd.s32 $0x8F2B, s0  }
0xbf: {  	[sflag:s0] =	ssyncadd.remote.s32 $0x1  }
0xc0: {  	_ =	sfence.sel $0xFFFF  }
0xc1: {  	[dreg:$0x0] =	wrdreg $0xFFFFFFFF;
	(pc) =	sbr.abs _section_cstart, $3  }
0xc2: {  	[dreg:$0x1] =	wrdreg $0xFFFFFFFF  }
0xc3: {  	_ =	task.clear_ibuf [dreg:s8], $0x2FFFF;
	_ =	strace $0x9FFFFFFF  }
0xc4: {  	(tm) =	ssettm $0x7FFFFFFF  }
0xc5: {  	_ =	shalt  }
tec
execute0_lowered:
.L_overlay_start_1:
0x0: {  	(tag) =	ssettag $0x1  }
0x1: {  	s0 =	srdreg.scid;
	s1 =	rddreg [dreg:$0x0]  }
0x2: {  	s3 =	stileid.u32;
	s2 =	rddreg [dreg:$0x1]  }
0x3: {  	s5 =	rddreg [dreg:$0x2];
	s9 =	simm.s32 $0xB;
	s10 =	simm.s32 $0x200  }
0x4: {  	s22 =	simm.s32 $0x6200;
	s12 =	simm.s32 $0xC200;
	s16 =	simm.s32 $0x18200  }
0x5: {  	s17 =	simm.s32 $0x18A00;
	s18 =	simm.s32 $0x19200;
	s19 =	simm.s32 $0x19A00  }
0x6: {  	s20 =	simm.s32 $0x1A200;
	s21 =	simm.s32 $0x1AA00;
	s23 =	simm.s32 $0x1B200  }
0x7: {  	s24 =	simm.s32 $0x1BA00;
	s25 =	simm.s32 $0x1C200;
	s28 =	simm.s32 $0x1D200  }
0x8: {  	s29 =	simm.s32 $0x1DA00;
	s30 =	simm.s32 $0x1;
	s0 =	sand.u32 $0x1, s0  }
0x9: {  	s31 =	simm.s32 $0x6;
	s3 =	sshll.u32 s3, $0xA;
	s4 =	sshll.u32 s0, $0x9  }
0xa: {  	s11 =	simm.s32 $0x3;
	s0 =	ssub.s32 $0x2, s0;
	s3 =	sor.u32 s4, s3  }
0xb: {  	s13 =	simm.s32 $0x0;
	s7 =	sshrl.u32 s0, $0x1;
	s4 =	sshrl.u32 s3, $0x3  }
0xc: {  	s3 =	simm.s32 $0x0;
	s0 =	ssub.s32 s0, s7;
	s6 =	smul.u32 $0x300, s4  }
.Ltmp0:
0xd: {  	[smem:$0x7FF] =	sst s3;
	s1 =	sadd.s32 s1, s4;
	(pc) =	sbr.rel .LBB2_1-.Ltmp0, $4  }
0xe: {  	s0 =	smax.u32 s0, $0x1;
	_ =	strace $0x80000047;
	[dreg:$0x4] =	wrdreg s1  }
0xf: {  	v2 =	vlaneseq.u32;
	[dreg:$0x5] =	wrdreg s0;
	s1 =	simm.s32 $0x2;
	s8 =	sadd.s32 s6, s5  }
0x10: {  	vm0 =	vmmov $0xffff;
	v1 =	vshrl.u32 v2, $0x3;
	s0 =	simm.s32 $0x7;
	s5 =	sadd.s32 $0x100, s2;
	s26 =	sadd.s32 $0xE00, s8  }
0x11: {  	v0 =	vand.u32 $0x7, v2;
	v2 =	vor.u32 $0x8, v2;
	v1 =	vmul.u32 $0x8, v1;
	s6 =	sadd.s32 $0x200, s2;
	[dreg:$0x6] =	wrdreg s26;
	s26 =	simm.s32 $0x1CA00  }
.LBB2_10:
0x12: {  	_ =	swait.ge [sflag:s31], $0x6000  }
0x13: {  	s13 =	sadd.s32 $0x1, s13;
	s4 =	rddreg [dreg:$0x5]  }
0x14: {  	p0 =	sne.s32 s13, s4  }
.Ltmp1:
0x15: {  	_ = 	snop;
	(pc) =	sbr.rel @!p0 .LBB2_11-.Ltmp1, $3  }
0x16: {  	_ =	sdelay $0x1  }
0x17: {  	[sflag:s31] =	ssyncset.done $0x0  }
0x18: {  	[sflag:s31] =	ssyncadd.s32 $0xFFFFA000  }
.LBB2_1:
0x19: {  	s4 =	rddreg [dreg:$0x4]  }
0x1a: {  	[tilespmem:s3], [sflag:$0xB] =	stream.linear.gather [hbm4b:s4+s3], $0x200, $0x38;
	[tilespmem:$0x1E200] =	vst v63  }
0x1b: {  	_ =	swait.ge [sflag:s9], $0x200  }
0x1c: {  	[sflag:s9] =	ssyncset.done $0x0  }
0x1d: {  	[sflag:s9] =	ssyncadd.s32 $0xFFFFFE00  }
0x1e: {  	v3 =	vld [tilespmem:$0x0];
	_ =	sdelay $0x4  }
0x1f: {  	v4 =	vshrl.u32 v3, $0x3  }
0x20: {  	v4 =	vmul.u32 $0x30, v4  }
0x21: {  	v3 =	vand.u32 $0x7, v3  }
0x22: {  	v3 =	vor.u32 v3, v4  }
0x23: {  	v4 =	vperm.xlane v3, v0;
	_ =	sdelay $0x1  }
0x24: {  	v4 =	vadd.s32 v1, v4;
	_ =	sdelay $0x3  }
0x25: {  	v3 =	vperm.xlane v3, v2  }
0x26: {  	[tilespmem:s10], [sflag:$0x1] =	stream.indirect_vreg.gather [hbm4b:s2+s3], $0x80, v4, vm0, $0xb8;
	[tilespmem:$0x1E200] =	vst v63  }
0x27: {  	s15 =	simm.s32 $0xA00;
	v3 =	vadd.s32 v1, v3  }
0x28: {  	[tilespmem:s15], [sflag:$0x1] =	stream.indirect_vreg.gather [hbm4b:s5+s3], $0x80, v4, vm0, $0xb8;
	[tilespmem:$0x1E200] =	vst v63  }
0x29: {  	s7 =	simm.s32 $0x1200  }
0x2a: {  	[tilespmem:s7], [sflag:$0x1] =	stream.indirect_vreg.gather [hbm4b:s6+s3], $0x80, v4, vm0, $0xb8;
	[tilespmem:$0x1E200] =	vst v63  }
0x2b: {  	s8 =	simm.s32 $0x1A00  }
0x2c: {  	[tilespmem:s8], [sflag:$0x1] =	stream.indirect_vreg.gather [hbm4b:s2+s3], $0x80, v3, vm0, $0xb8;
	[tilespmem:$0x1E200] =	vst v63  }
0x2d: {  	s14 =	simm.s32 $0x2200  }
0x2e: {  	[tilespmem:s14], [sflag:$0x1] =	stream.indirect_vreg.gather [hbm4b:s5+s3], $0x80, v3, vm0, $0xb8;
	[tilespmem:$0x1E200] =	vst v63  }
0x2f: {  	s15 =	simm.s32 $0x2A00  }
0x30: {  	[tilespmem:s15], [sflag:$0x1] =	stream.indirect_vreg.gather [hbm4b:s6+s3], $0x80, v3, vm0, $0xb8;
	[tilespmem:$0x1E200] =	vst v63  }
0x31: {  	v3 =	vld [tilespmem:$0x10];
	_ =	sdelay $0x4  }
0x32: {  	v57 =	vshrl.u32 v3, $0x3  }
0x33: {  	v4 =	vmul.u32 $0x30, v57  }
0x34: {  	v3 =	vand.u32 $0x7, v3  }
0x35: {  	v3 =	vor.u32 v3, v4  }
0x36: {  	v4 =	vperm.xlane v3, v0;
	_ =	sdelay $0x1  }
0x37: {  	v4 =	vadd.s32 v1, v4;
	_ =	sdelay $0x3  }
0x38: {  	s7 =	simm.s32 $0x3200;
	v3 =	vperm.xlane v3, v2  }
0x39: {  	[tilespmem:s7], [sflag:$0x1] =	stream.indirect_vreg.gather [hbm4b:s2+s3], $0x80, v4, vm0, $0xb8;
	[tilespmem:$0x1E200] =	vst v63  }
0x3a: {  	s8 =	simm.s32 $0x3A00;
	v3 =	vadd.s32 v1, v3  }
0x3b: {  	[tilespmem:s8], [sflag:$0x1] =	stream.indirect_vreg.gather [hbm4b:s5+s3], $0x80, v4, vm0, $0xb8;
	[tilespmem:$0x1E200] =	vst v63  }
0x3c: {  	s14 =	simm.s32 $0x4200  }
0x3d: {  	[tilespmem:s14], [sflag:$0x1] =	stream.indirect_vreg.gather [hbm4b:s6+s3], $0x80, v4, vm0, $0xb8;
	[tilespmem:$0x1E200] =	vst v63  }
0x3e: {  	s15 =	simm.s32 $0x4A00  }
0x3f: {  	[tilespmem:s15], [sflag:$0x1] =	stream.indirect_vreg.gather [hbm4b:s2+s3], $0x80, v3, vm0, $0xb8;
	[tilespmem:$0x1E200] =	vst v63  }
0x40: {  	s7 =	simm.s32 $0x5200  }
0x41: {  	[tilespmem:s7], [sflag:$0x1] =	stream.indirect_vreg.gather [hbm4b:s5+s3], $0x80, v3, vm0, $0xb8;
	[tilespmem:$0x1E200] =	vst v63  }
0x42: {  	s8 =	simm.s32 $0x5A00  }
0x43: {  	[tilespmem:s8], [sflag:$0x1] =	stream.indirect_vreg.gather [hbm4b:s6+s3], $0x80, v3, vm0, $0xb8;
	[tilespmem:$0x1E200] =	vst v63  }
0x44: {  	v3 =	vld [tilespmem:$0x20];
	_ =	sdelay $0x4  }
0x45: {  	v58 =	vshrl.u32 v3, $0x3  }
0x46: {  	v4 =	vmul.u32 $0x30, v58  }
0x47: {  	v3 =	vand.u32 $0x7, v3  }
0x48: {  	v3 =	vor.u32 v3, v4  }
0x49: {  	v4 =	vperm.xlane v3, v0;
	_ =	sdelay $0x1  }
0x4a: {  	v4 =	vadd.s32 v1, v4;
	_ =	sdelay $0x3  }
0x4b: {  	v3 =	vperm.xlane v3, v2  }
0x4c: {  	[tilespmem:s22], [sflag:$0x2] =	stream.indirect_vreg.gather [hbm4b:s2+s3], $0x80, v4, vm0, $0xb8;
	[tilespmem:$0x1E200] =	vst v63  }
0x4d: {  	s14 =	simm.s32 $0x6A00;
	v3 =	vadd.s32 v1, v3  }
0x4e: {  	[tilespmem:s14], [sflag:$0x2] =	stream.indirect_vreg.gather [hbm4b:s5+s3], $0x80, v4, vm0, $0xb8;
	[tilespmem:$0x1E200] =	vst v63  }
0x4f: {  	s15 =	simm.s32 $0x7200  }
0x50: {  	[tilespmem:s15], [sflag:$0x2] =	stream.indirect_vreg.gather [hbm4b:s6+s3], $0x80, v4, vm0, $0xb8;
	[tilespmem:$0x1E200] =	vst v63  }
0x51: {  	s7 =	simm.s32 $0x7A00  }
0x52: {  	[tilespmem:s7], [sflag:$0x2] =	stream.indirect_vreg.gather [hbm4b:s2+s3], $0x80, v3, vm0, $0xb8;
	[tilespmem:$0x1E200] =	vst v63  }
0x53: {  	s8 =	simm.s32 $0x8200  }
0x54: {  	[tilespmem:s8], [sflag:$0x2] =	stream.indirect_vreg.gather [hbm4b:s5+s3], $0x80, v3, vm0, $0xb8;
	[tilespmem:$0x1E200] =	vst v63  }
0x55: {  	s14 =	simm.s32 $0x8A00  }
0x56: {  	[tilespmem:s14], [sflag:$0x2] =	stream.indirect_vreg.gather [hbm4b:s6+s3], $0x80, v3, vm0, $0xb8;
	[tilespmem:$0x1E200] =	vst v63  }
0x57: {  	v3 =	vld [tilespmem:$0x30];
	_ =	sdelay $0x4  }
0x58: {  	v59 =	vshrl.u32 v3, $0x3  }
0x59: {  	v4 =	vmul.u32 $0x30, v59  }
0x5a: {  	v3 =	vand.u32 $0x7, v3  }
0x5b: {  	v3 =	vor.u32 v3, v4  }
0x5c: {  	v4 =	vperm.xlane v3, v0;
	_ =	sdelay $0x1  }
0x5d: {  	v4 =	vadd.s32 v1, v4;
	_ =	sdelay $0x3  }
0x5e: {  	s15 =	simm.s32 $0x9200;
	v3 =	vperm.xlane v3, v2  }
0x5f: {  	[tilespmem:s15], [sflag:$0x2] =	stream.indirect_vreg.gather [hbm4b:s2+s3], $0x80, v4, vm0, $0xb8;
	[tilespmem:$0x1E200] =	vst v63  }
0x60: {  	s7 =	simm.s32 $0x9A00;
	v3 =	vadd.s32 v1, v3  }
0x61: {  	[tilespmem:s7], [sflag:$0x2] =	stream.indirect_vreg.gather [hbm4b:s5+s3], $0x80, v4, vm0, $0xb8;
	[tilespmem:$0x1E200] =	vst v63  }
0x62: {  	s8 =	simm.s32 $0xA200  }
0x63: {  	[tilespmem:s8], [sflag:$0x2] =	stream.indirect_vreg.gather [hbm4b:s6+s3], $0x80, v4, vm0, $0xb8;
	[tilespmem:$0x1E200] =	vst v63  }
0x64: {  	s14 =	simm.s32 $0xAA00  }
0x65: {  	[tilespmem:s14], [sflag:$0x2] =	stream.indirect_vreg.gather [hbm4b:s2+s3], $0x80, v3, vm0, $0xb8;
	[tilespmem:$0x1E200] =	vst v63  }
0x66: {  	s15 =	simm.s32 $0xB200  }
0x67: {  	[tilespmem:s15], [sflag:$0x2] =	stream.indirect_vreg.gather [hbm4b:s5+s3], $0x80, v3, vm0, $0xb8;
	[tilespmem:$0x1E200] =	vst v63  }
0x68: {  	s7 =	simm.s32 $0xBA00  }
0x69: {  	[tilespmem:s7], [sflag:$0x2] =	stream.indirect_vreg.gather [hbm4b:s6+s3], $0x80, v3, vm0, $0xb8;
	[tilespmem:$0x1E200] =	vst v63  }
0x6a: {  	v3 =	vld [tilespmem:$0x40];
	_ =	sdelay $0x4  }
0x6b: {  	v60 =	vshrl.u32 v3, $0x3  }
0x6c: {  	v4 =	vmul.u32 $0x30, v60  }
0x6d: {  	v3 =	vand.u32 $0x7, v3  }
0x6e: {  	v3 =	vor.u32 v3, v4  }
0x6f: {  	v4 =	vperm.xlane v3, v0;
	_ =	sdelay $0x1  }
0x70: {  	v4 =	vadd.s32 v1, v4;
	_ =	sdelay $0x3  }
0x71: {  	v3 =	vperm.xlane v3, v2  }
0x72: {  	[tilespmem:s12], [sflag:$0x3] =	stream.indirect_vreg.gather [hbm4b:s2+s3], $0x80, v4, vm0, $0xb8;
	[tilespmem:$0x1E200] =	vst v63  }
0x73: {  	s8 =	simm.s32 $0xCA00;
	v3 =	vadd.s32 v1, v3  }
0x74: {  	[tilespmem:s8], [sflag:$0x3] =	stream.indirect_vreg.gather [hbm4b:s5+s3], $0x80, v4, vm0, $0xb8;
	[tilespmem:$0x1E200] =	vst v63  }
0x75: {  	s14 =	simm.s32 $0xD200  }
0x76: {  	[tilespmem:s14], [sflag:$0x3] =	stream.indirect_vreg.gather [hbm4b:s6+s3], $0x80, v4, vm0, $0xb8;
	[tilespmem:$0x1E200] =	vst v63  }
0x77: {  	s15 =	simm.s32 $0xDA00  }
0x78: {  	[tilespmem:s15], [sflag:$0x3] =	stream.indirect_vreg.gather [hbm4b:s2+s3], $0x80, v3, vm0, $0xb8;
	[tilespmem:$0x1E200] =	vst v63  }
0x79: {  	s7 =	simm.s32 $0xE200  }
0x7a: {  	[tilespmem:s7], [sflag:$0x3] =	stream.indirect_vreg.gather [hbm4b:s5+s3], $0x80, v3, vm0, $0xb8;
	[tilespmem:$0x1E200] =	vst v63  }
0x7b: {  	s8 =	simm.s32 $0xEA00  }
0x7c: {  	[tilespmem:s8], [sflag:$0x3] =	stream.indirect_vreg.gather [hbm4b:s6+s3], $0x80, v3, vm0, $0xb8;
	[tilespmem:$0x1E200] =	vst v63  }
0x7d: {  	v3 =	vld [tilespmem:$0x50];
	_ =	sdelay $0x4  }
0x7e: {  	v61 =	vshrl.u32 v3, $0x3  }
0x7f: {  	v4 =	vmul.u32 $0x30, v61  }
0x80: {  	v3 =	vand.u32 $0x7, v3  }
0x81: {  	v3 =	vor.u32 v3, v4  }
0x82: {  	v4 =	vperm.xlane v3, v0;
	_ =	sdelay $0x1  }
0x83: {  	v4 =	vadd.s32 v1, v4;
	_ =	sdelay $0x3  }
0x84: {  	s14 =	simm.s32 $0xF200;
	v3 =	vperm.xlane v3, v2  }
0x85: {  	[tilespmem:s14], [sflag:$0x3] =	stream.indirect_vreg.gather [hbm4b:s2+s3], $0x80, v4, vm0, $0xb8;
	[tilespmem:$0x1E200] =	vst v63  }
0x86: {  	s15 =	simm.s32 $0xFA00;
	v3 =	vadd.s32 v1, v3  }
0x87: {  	[tilespmem:s15], [sflag:$0x3] =	stream.indirect_vreg.gather [hbm4b:s5+s3], $0x80, v4, vm0, $0xb8;
	[tilespmem:$0x1E200] =	vst v63  }
0x88: {  	s7 =	simm.s32 $0x10200  }
0x89: {  	[tilespmem:s7], [sflag:$0x3] =	stream.indirect_vreg.gather [hbm4b:s6+s3], $0x80, v4, vm0, $0xb8;
	[tilespmem:$0x1E200] =	vst v63  }
0x8a: {  	s8 =	simm.s32 $0x10A00  }
0x8b: {  	[tilespmem:s8], [sflag:$0x3] =	stream.indirect_vreg.gather [hbm4b:s2+s3], $0x80, v3, vm0, $0xb8;
	[tilespmem:$0x1E200] =	vst v63  }
0x8c: {  	s14 =	simm.s32 $0x11200  }
0x8d: {  	[tilespmem:s14], [sflag:$0x3] =	stream.indirect_vreg.gather [hbm4b:s5+s3], $0x80, v3, vm0, $0xb8;
	[tilespmem:$0x1E200] =	vst v63  }
0x8e: {  	s15 =	simm.s32 $0x11A00  }
0x8f: {  	[tilespmem:s15], [sflag:$0x3] =	stream.indirect_vreg.gather [hbm4b:s6+s3], $0x80, v3, vm0, $0xb8;
	[tilespmem:$0x1E200] =	vst v63  }
0x90: {  	v3 =	vld [tilespmem:$0x60];
	_ =	sdelay $0x4  }
0x91: {  	v62 =	vshrl.u32 v3, $0x3  }
0x92: {  	v4 =	vmul.u32 $0x30, v62  }
0x93: {  	v3 =	vand.u32 $0x7, v3  }
0x94: {  	v3 =	vor.u32 v3, v4  }
0x95: {  	v4 =	vperm.xlane v3, v0;
	_ =	sdelay $0x1  }
0x96: {  	v4 =	vadd.s32 v1, v4;
	_ =	sdelay $0x3  }
0x97: {  	s7 =	simm.s32 $0x12200;
	v3 =	vperm.xlane v3, v2  }
0x98: {  	[tilespmem:s7], [sflag:$0x4] =	stream.indirect_vreg.gather [hbm4b:s2+s3], $0x80, v4, vm0, $0xb8;
	[tilespmem:$0x1E200] =	vst v63  }
0x99: {  	s8 =	simm.s32 $0x12A00;
	v3 =	vadd.s32 v1, v3  }
0x9a: {  	[tilespmem:s8], [sflag:$0x4] =	stream.indirect_vreg.gather [hbm4b:s5+s3], $0x80, v4, vm0, $0xb8;
	[tilespmem:$0x1E200] =	vst v63  }
0x9b: {  	s14 =	simm.s32 $0x13200  }
0x9c: {  	[tilespmem:s14], [sflag:$0x4] =	stream.indirect_vreg.gather [hbm4b:s6+s3], $0x80, v4, vm0, $0xb8;
	[tilespmem:$0x1E200] =	vst v63  }
0x9d: {  	s15 =	simm.s32 $0x13A00  }
0x9e: {  	[tilespmem:s15], [sflag:$0x4] =	stream.indirect_vreg.gather [hbm4b:s2+s3], $0x80, v3, vm0, $0xb8;
	[tilespmem:$0x1E200] =	vst v63  }
0x9f: {  	s7 =	simm.s32 $0x14200  }
0xa0: {  	[tilespmem:s7], [sflag:$0x4] =	stream.indirect_vreg.gather [hbm4b:s5+s3], $0x80, v3, vm0, $0xb8;
	[tilespmem:$0x1E200] =	vst v63  }
0xa1: {  	s8 =	simm.s32 $0x14A00  }
0xa2: {  	[tilespmem:s8], [sflag:$0x4] =	stream.indirect_vreg.gather [hbm4b:s6+s3], $0x80, v3, vm0, $0xb8;
	[tilespmem:$0x1E200] =	vst v63  }
0xa3: {  	v3 =	vld [tilespmem:$0x70];
	_ =	sdelay $0x4  }
0xa4: {  	v63 =	vshrl.u32 v3, $0x3  }
0xa5: {  	v4 =	vmul.u32 $0x30, v63  }
0xa6: {  	v3 =	vand.u32 $0x7, v3  }
0xa7: {  	v3 =	vor.u32 v3, v4  }
0xa8: {  	v4 =	vperm.xlane v3, v0;
	_ =	sdelay $0x1  }
0xa9: {  	v4 =	vadd.s32 v1, v4;
	_ =	sdelay $0x3  }
0xaa: {  	s14 =	simm.s32 $0x15200;
	v3 =	vperm.xlane v3, v2  }
0xab: {  	[tilespmem:s14], [sflag:$0x4] =	stream.indirect_vreg.gather [hbm4b:s2+s3], $0x80, v4, vm0, $0xb8;
	[tilespmem:$0x1E200] =	vst v63  }
0xac: {  	s15 =	simm.s32 $0x15A00;
	v3 =	vadd.s32 v1, v3  }
0xad: {  	[tilespmem:s15], [sflag:$0x4] =	stream.indirect_vreg.gather [hbm4b:s5+s3], $0x80, v4, vm0, $0xb8;
	[tilespmem:$0x1E200] =	vst v63  }
0xae: {  	s7 =	simm.s32 $0x16200  }
0xaf: {  	[tilespmem:s7], [sflag:$0x4] =	stream.indirect_vreg.gather [hbm4b:s6+s3], $0x80, v4, vm0, $0xb8;
	[tilespmem:$0x1E200] =	vst v63  }
0xb0: {  	s8 =	simm.s32 $0x16A00  }
0xb1: {  	[tilespmem:s8], [sflag:$0x4] =	stream.indirect_vreg.gather [hbm4b:s2+s3], $0x80, v3, vm0, $0xb8;
	[tilespmem:$0x1E200] =	vst v63  }
.Ltmp2:
0xb2: {  	_ = 	snop;
	(pc) =	sbr.rel .LBB2_2-.Ltmp2, $4  }
0xb3: {  	s4 =	simm.s32 $0x0;
	s14 =	simm.s32 $0x17200  }
0xb4: {  	[tilespmem:s14], [sflag:$0x4] =	stream.indirect_vreg.gather [hbm4b:s5+s3], $0x80, v3, vm0, $0xb8;
	[tilespmem:$0x1E200] =	vst v63  }
0xb5: {  	s15 =	simm.s32 $0x17A00;
	s8 =	rddreg [dreg:$0x6];
	s14 =	simm.s32 $0x90  }
0xb6: {  	[tilespmem:s15], [sflag:$0x4] =	stream.indirect_vreg.gather [hbm4b:s6+s3], $0x80, v3, vm0, $0xb8;
	[tilespmem:$0x1E200] =	vst v63  }
.LBB2_8:
0xb7: {  	_ =	swait.ge [sflag:s0], $0x6000  }
0xb8: {  	[sflag:s0] =	ssyncset.done $0x0  }
0xb9: {  	p0 =	sgt.u32 s4, $0xB;
	[sflag:s0] =	ssyncadd.s32 $0xFFFFA000  }
0xba: {  	v3 =	vld @!p0 [tilespmem:s14+$0xFFFFFFF0];
	_ =	sdelay $0x4  }
0xbb: {  	v4 =	vshrl.u32 @!p0 v3, $0x3  }
0xbc: {  	v4 =	vmul.u32 @!p0 $0x30, v4  }
0xbd: {  	v5 =	vlaneseq.u32 @!p0;
	v3 =	vand.u32 @!p0 $0x7, v3  }
0xbe: {  	v6 =	vshrl.u32 @!p0 v5, $0x3;
	v3 =	vor.u32 @!p0 v3, v4;
	v4 =	vand.u32 @!p0 $0x7, v5  }
0xbf: {  	v6 =	vmul.u32 @!p0 $0x8, v6;
	v7 =	vperm.xlane @!p0 v3, v4;
	_ =	sdelay $0x1  }
0xc0: {  	v7 =	vadd.s32 @!p0 v6, v7;
	_ =	sdelay $0x2  }
0xc1: {  	v5 =	vor.u32 @!p0 $0x8, v5  }
0xc2: {  	vm1 =	vmmov @!p0 $0xffff;
	s7 =	simm.s32 @!p0 $0x0;
	s15 =	simm.s32 @!p0 $0x6200;
	v3 =	vperm.xlane @!p0 v3, v5  }
0xc3: {  	[tilespmem:s15], [sflag:$0x2] =	stream.indirect_vreg.gather @!p0 [hbm4b:s2+s7], $0x80, v7, vm1, $0xb8;
	[tilespmem:$0x1E200] =	vst v63  }
0xc4: {  	v3 =	vadd.s32 @!p0 v6, v3;
	s15 =	simm.s32 @!p0 $0x6A00  }
0xc5: {  	[tilespmem:s15], [sflag:$0x2] =	stream.indirect_vreg.gather @!p0 [hbm4b:s5+s7], $0x80, v7, vm1, $0xb8;
	[tilespmem:$0x1E200] =	vst v63  }
0xc6: {  	s15 =	simm.s32 @!p0 $0x7200  }
0xc7: {  	[tilespmem:s15], [sflag:$0x2] =	stream.indirect_vreg.gather @!p0 [hbm4b:s6+s7], $0x80, v7, vm1, $0xb8;
	[tilespmem:$0x1E200] =	vst v63  }
0xc8: {  	s15 =	simm.s32 @!p0 $0x7A00  }
0xc9: {  	[tilespmem:s15], [sflag:$0x2] =	stream.indirect_vreg.gather @!p0 [hbm4b:s2+s7], $0x80, v3, vm1, $0xb8;
	[tilespmem:$0x1E200] =	vst v63  }
0xca: {  	s15 =	simm.s32 @!p0 $0x8200  }
0xcb: {  	[tilespmem:s15], [sflag:$0x2] =	stream.indirect_vreg.gather @!p0 [hbm4b:s5+s7], $0x80, v3, vm1, $0xb8;
	[tilespmem:$0x1E200] =	vst v63  }
0xcc: {  	s15 =	simm.s32 @!p0 $0x8A00  }
0xcd: {  	[tilespmem:s15], [sflag:$0x2] =	stream.indirect_vreg.gather @!p0 [hbm4b:s6+s7], $0x80, v3, vm1, $0xb8;
	[tilespmem:$0x1E200] =	vst v63  }
0xce: {  	v3 =	vld @!p0 [tilespmem:s14+$0x0];
	_ =	sdelay $0x4  }
0xcf: {  	v7 =	vshrl.u32 @!p0 v3, $0x3  }
0xd0: {  	v7 =	vmul.u32 @!p0 $0x30, v7  }
0xd1: {  	v3 =	vand.u32 @!p0 $0x7, v3  }
0xd2: {  	v3 =	vor.u32 @!p0 v3, v7  }
0xd3: {  	v4 =	vperm.xlane @!p0 v3, v4;
	_ =	sdelay $0x1  }
0xd4: {  	v4 =	vadd.s32 @!p0 v6, v4;
	_ =	sdelay $0x3  }
0xd5: {  	s15 =	simm.s32 @!p0 $0x9200;
	v3 =	vperm.xlane @!p0 v3, v5  }
0xd6: {  	[tilespmem:s15], [sflag:$0x2] =	stream.indirect_vreg.gather @!p0 [hbm4b:s2+s7], $0x80, v4, vm1, $0xb8;
	[tilespmem:$0x1E200] =	vst v63  }
0xd7: {  	v3 =	vadd.s32 @!p0 v6, v3;
	s15 =	simm.s32 @!p0 $0x9A00  }
0xd8: {  	[tilespmem:s15], [sflag:$0x2] =	stream.indirect_vreg.gather @!p0 [hbm4b:s5+s7], $0x80, v4, vm1, $0xb8;
	[tilespmem:$0x1E200] =	vst v63  }
0xd9: {  	s15 =	simm.s32 @!p0 $0xA200  }
0xda: {  	[tilespmem:s15], [sflag:$0x2] =	stream.indirect_vreg.gather @!p0 [hbm4b:s6+s7], $0x80, v4, vm1, $0xb8;
	[tilespmem:$0x1E200] =	vst v63  }
0xdb: {  	s15 =	simm.s32 @!p0 $0xAA00  }
0xdc: {  	[tilespmem:s15], [sflag:$0x2] =	stream.indirect_vreg.gather @!p0 [hbm4b:s2+s7], $0x80, v3, vm1, $0xb8;
	[tilespmem:$0x1E200] =	vst v63  }
0xdd: {  	s15 =	simm.s32 @!p0 $0xB200  }
0xde: {  	[tilespmem:s15], [sflag:$0x2] =	stream.indirect_vreg.gather @!p0 [hbm4b:s5+s7], $0x80, v3, vm1, $0xb8;
	[tilespmem:$0x1E200] =	vst v63  }
0xdf: {  	s15 =	simm.s32 @!p0 $0xBA00  }
0xe0: {  	[tilespmem:s15], [sflag:$0x2] =	stream.indirect_vreg.gather @!p0 [hbm4b:s6+s7], $0x80, v3, vm1, $0xb8;
	[tilespmem:$0x1E200] =	vst v63  }
0xe1: {  	_ =	swait.ge [sflag:s11], $0x6000  }
0xe2: {  	[sflag:s11] =	ssyncset.done $0x0  }
0xe3: {  	[sflag:s11] =	ssyncadd.s32 $0xFFFFA000  }
0xe4: {  	[hbm4b:s8+s3] =	stream.linear.scatter [tilespmem:s12], [sflag:$0x8], $0x6000, $0x38;
	[tilespmem:$0x1E200] =	vst v63  }
.LBB2_9:
0xe5: {  	s4 =	sadd.s32 $0x1, s4  }
0xe6: {  	p0 =	sne.s32 s4, $0x10  }
.Ltmp3:
0xe7: {  	_ = 	snop;
	(pc) =	sbr.rel @!p0 .LBB2_10-.Ltmp3, $2  }
0xe8: {  	_ =	sdelay $0x2  }
0xe9: {  	s14 =	sadd.s32 $0x20, s14;
	s8 =	sadd.s32 $0xC00, s8  }
.LBB2_2:
0xea: {  	s7 =	smul.u32 $0xCD, s4;
	_ =	sdelay $0x1  }
0xeb: {  	s7 =	sshrl.u32 s7, $0xA  }
0xec: {  	s7 =	sand.u32 $0x3F, s7  }
0xed: {  	s7 =	smul.u32 $0x5, s7;
	_ =	sdelay $0x1  }
0xee: {  	s7 =	ssub.s32 s4, s7  }
0xef: {  	s7 =	sand.u32 $0xFF, s7  }
0xf0: {  	p0 =	sgt.s32 s7, $0x1  }
.Ltmp4:
0xf1: {  	_ = 	snop;
	(pc) =	sbr.rel @!p0 .LBB2_3-.Ltmp4, $1  }
0xf2: {  	_ =	sdelay $0x3  }
0xf3: {  	p0 =	seq.s32 s7, $0x2  }
.Ltmp5:
0xf4: {  	_ = 	snop;
	(pc) =	sbr.rel @p0 .LBB2_8-.Ltmp5, $1  }
0xf5: {  	_ =	sdelay $0x3  }
0xf6: {  	p0 =	seq.s32 s7, $0x3  }
0xf7: {  	s7 =	simm.s32 @p0 $0x8  }
0xf8: {  	_ =	swait.ge @p0 [sflag:s7], $0x6000  }
0xf9: {  	p1 =	sgt.u32 @p0 s4, $0xB;
	[sflag:s7] =	ssyncset.done @p0 $0x0  }
0xfa: {  	p1 =	por p1, !p0;
	[sflag:s7] =	ssyncadd.s32 @p0 $0xFFFFA000  }
0xfb: {  	v3 =	vld @!p1 [tilespmem:s14+$0xFFFFFFF0];
	_ =	sdelay $0x4  }
0xfc: {  	v4 =	vshrl.u32 @!p1 v3, $0x3  }
0xfd: {  	v4 =	vmul.u32 @!p1 $0x30, v4  }
0xfe: {  	v5 =	vlaneseq.u32 @!p1;
	v3 =	vand.u32 @!p1 $0x7, v3  }
0xff: {  	v6 =	vshrl.u32 @!p1 v5, $0x3;
	v3 =	vor.u32 @!p1 v3, v4;
	v4 =	vand.u32 @!p1 $0x7, v5  }
0x100: {  	v6 =	vmul.u32 @!p1 $0x8, v6;
	v7 =	vperm.xlane @!p1 v3, v4;
	_ =	sdelay $0x1  }
0x101: {  	v7 =	vadd.s32 @!p1 v6, v7;
	_ =	sdelay $0x2  }
0x102: {  	v5 =	vor.u32 @!p1 $0x8, v5  }
0x103: {  	vm1 =	vmmov @!p1 $0xffff;
	s15 =	simm.s32 @!p1 $0xC200;
	s7 =	simm.s32 @!p1 $0x0;
	v3 =	vperm.xlane @!p1 v3, v5  }
0x104: {  	[tilespmem:s15], [sflag:$0x3] =	stream.indirect_vreg.gather @!p1 [hbm4b:s2+s7], $0x80, v7, vm1, $0xb8;
	[tilespmem:$0x1E200] =	vst v63  }
0x105: {  	v3 =	vadd.s32 @!p1 v6, v3;
	s15 =	simm.s32 @!p1 $0xCA00  }
0x106: {  	[tilespmem:s15], [sflag:$0x3] =	stream.indirect_vreg.gather @!p1 [hbm4b:s5+s7], $0x80, v7, vm1, $0xb8;
	[tilespmem:$0x1E200] =	vst v63  }
0x107: {  	s15 =	simm.s32 @!p1 $0xD200  }
0x108: {  	[tilespmem:s15], [sflag:$0x3] =	stream.indirect_vreg.gather @!p1 [hbm4b:s6+s7], $0x80, v7, vm1, $0xb8;
	[tilespmem:$0x1E200] =	vst v63  }
0x109: {  	s15 =	simm.s32 @!p1 $0xDA00  }
0x10a: {  	[tilespmem:s15], [sflag:$0x3] =	stream.indirect_vreg.gather @!p1 [hbm4b:s2+s7], $0x80, v3, vm1, $0xb8;
	[tilespmem:$0x1E200] =	vst v63  }
0x10b: {  	s15 =	simm.s32 @!p1 $0xE200  }
0x10c: {  	[tilespmem:s15], [sflag:$0x3] =	stream.indirect_vreg.gather @!p1 [hbm4b:s5+s7], $0x80, v3, vm1, $0xb8;
	[tilespmem:$0x1E200] =	vst v63  }
0x10d: {  	s15 =	simm.s32 @!p1 $0xEA00  }
0x10e: {  	[tilespmem:s15], [sflag:$0x3] =	stream.indirect_vreg.gather @!p1 [hbm4b:s6+s7], $0x80, v3, vm1, $0xb8;
	[tilespmem:$0x1E200] =	vst v63  }
0x10f: {  	v3 =	vld @!p1 [tilespmem:s14+$0x0];
	_ =	sdelay $0x4  }
0x110: {  	v7 =	vshrl.u32 @!p1 v3, $0x3  }
0x111: {  	v7 =	vmul.u32 @!p1 $0x30, v7  }
0x112: {  	v3 =	vand.u32 @!p1 $0x7, v3  }
0x113: {  	v3 =	vor.u32 @!p1 v3, v7  }
0x114: {  	v4 =	vperm.xlane @!p1 v3, v4;
	_ =	sdelay $0x1  }
0x115: {  	v4 =	vadd.s32 @!p1 v6, v4;
	_ =	sdelay $0x3  }
0x116: {  	s15 =	simm.s32 @!p1 $0xF200;
	v3 =	vperm.xlane @!p1 v3, v5  }
0x117: {  	[tilespmem:s15], [sflag:$0x3] =	stream.indirect_vreg.gather @!p1 [hbm4b:s2+s7], $0x80, v4, vm1, $0xb8;
	[tilespmem:$0x1E200] =	vst v63  }
0x118: {  	v3 =	vadd.s32 @!p1 v6, v3;
	s15 =	simm.s32 @!p1 $0xFA00  }
0x119: {  	[tilespmem:s15], [sflag:$0x3] =	stream.indirect_vreg.gather @!p1 [hbm4b:s5+s7], $0x80, v4, vm1, $0xb8;
	[tilespmem:$0x1E200] =	vst v63  }
0x11a: {  	s15 =	simm.s32 @!p1 $0x10200  }
0x11b: {  	[tilespmem:s15], [sflag:$0x3] =	stream.indirect_vreg.gather @!p1 [hbm4b:s6+s7], $0x80, v4, vm1, $0xb8;
	[tilespmem:$0x1E200] =	vst v63  }
0x11c: {  	s15 =	simm.s32 @!p1 $0x10A00  }
0x11d: {  	[tilespmem:s15], [sflag:$0x3] =	stream.indirect_vreg.gather @!p1 [hbm4b:s2+s7], $0x80, v3, vm1, $0xb8;
	[tilespmem:$0x1E200] =	vst v63  }
0x11e: {  	s15 =	simm.s32 @!p1 $0x11200  }
0x11f: {  	[tilespmem:s15], [sflag:$0x3] =	stream.indirect_vreg.gather @!p1 [hbm4b:s5+s7], $0x80, v3, vm1, $0xb8;
	[tilespmem:$0x1E200] =	vst v63  }
0x120: {  	s15 =	simm.s32 @!p1 $0x11A00  }
0x121: {  	[tilespmem:s15], [sflag:$0x3] =	stream.indirect_vreg.gather @!p1 [hbm4b:s6+s7], $0x80, v3, vm1, $0xb8;
	[tilespmem:$0x1E200] =	vst v63  }
0x122: {  	s7 =	simm.s32 @p0 $0x4  }
0x123: {  	_ =	swait.ge @p0 [sflag:s7], $0x6000  }
0x124: {  	[sflag:s7] =	ssyncset.done @p0 $0x0  }
0x125: {  	s15 =	simm.s32 @p0 $0x12200;
	[sflag:s7] =	ssyncadd.s32 @p0 $0xFFFFA000;
	s7 =	simm.s32 @p0 $0x0  }
0x126: {  	[hbm4b:s8+s7] =	stream.linear.scatter @p0 [tilespmem:s15], [sflag:$0x9], $0x6000, $0x38;
	[tilespmem:$0x1E200] =	vst v63  }
0x127: {  	s7 =	simm.s32 @!p0 $0x9  }
0x128: {  	_ =	swait.ge @!p0 [sflag:s7], $0x6000  }
0x129: {  	p1 =	sgt.u32 @!p0 s4, $0xB;
	[sflag:s7] =	ssyncset.done @!p0 $0x0  }
0x12a: {  	p1 =	por p1, p0;
	[sflag:s7] =	ssyncadd.s32 @!p0 $0xFFFFA000  }
0x12b: {  	v3 =	vld @!p1 [tilespmem:s14+$0xFFFFFFF0];
	_ =	sdelay $0x4  }
0x12c: {  	v4 =	vshrl.u32 @!p1 v3, $0x3  }
0x12d: {  	v4 =	vmul.u32 @!p1 $0x30, v4  }
0x12e: {  	v5 =	vlaneseq.u32 @!p1;
	v3 =	vand.u32 @!p1 $0x7, v3  }
0x12f: {  	v6 =	vshrl.u32 @!p1 v5, $0x3;
	v3 =	vor.u32 @!p1 v3, v4;
	v4 =	vand.u32 @!p1 $0x7, v5  }
0x130: {  	v6 =	vmul.u32 @!p1 $0x8, v6;
	v7 =	vperm.xlane @!p1 v3, v4;
	_ =	sdelay $0x1  }
0x131: {  	v7 =	vadd.s32 @!p1 v6, v7;
	_ =	sdelay $0x2  }
0x132: {  	v5 =	vor.u32 @!p1 $0x8, v5  }
0x133: {  	vm1 =	vmmov @!p1 $0xffff;
	s15 =	simm.s32 @!p1 $0x12200;
	s7 =	simm.s32 @!p1 $0x0;
	v3 =	vperm.xlane @!p1 v3, v5  }
0x134: {  	[tilespmem:s15], [sflag:$0x4] =	stream.indirect_vreg.gather @!p1 [hbm4b:s2+s7], $0x80, v7, vm1, $0xb8;
	[tilespmem:$0x1E200] =	vst v63  }
0x135: {  	v3 =	vadd.s32 @!p1 v6, v3;
	s15 =	simm.s32 @!p1 $0x12A00  }
0x136: {  	[tilespmem:s15], [sflag:$0x4] =	stream.indirect_vreg.gather @!p1 [hbm4b:s5+s7], $0x80, v7, vm1, $0xb8;
	[tilespmem:$0x1E200] =	vst v63  }
0x137: {  	s15 =	simm.s32 @!p1 $0x13200  }
0x138: {  	[tilespmem:s15], [sflag:$0x4] =	stream.indirect_vreg.gather @!p1 [hbm4b:s6+s7], $0x80, v7, vm1, $0xb8;
	[tilespmem:$0x1E200] =	vst v63  }
0x139: {  	s15 =	simm.s32 @!p1 $0x13A00  }
0x13a: {  	[tilespmem:s15], [sflag:$0x4] =	stream.indirect_vreg.gather @!p1 [hbm4b:s2+s7], $0x80, v3, vm1, $0xb8;
	[tilespmem:$0x1E200] =	vst v63  }
0x13b: {  	s15 =	simm.s32 @!p1 $0x14200  }
0x13c: {  	[tilespmem:s15], [sflag:$0x4] =	stream.indirect_vreg.gather @!p1 [hbm4b:s5+s7], $0x80, v3, vm1, $0xb8;
	[tilespmem:$0x1E200] =	vst v63  }
0x13d: {  	s15 =	simm.s32 @!p1 $0x14A00  }
0x13e: {  	[tilespmem:s15], [sflag:$0x4] =	stream.indirect_vreg.gather @!p1 [hbm4b:s6+s7], $0x80, v3, vm1, $0xb8;
	[tilespmem:$0x1E200] =	vst v63  }
0x13f: {  	v3 =	vld @!p1 [tilespmem:s14+$0x0];
	_ =	sdelay $0x4  }
0x140: {  	v7 =	vshrl.u32 @!p1 v3, $0x3  }
0x141: {  	v7 =	vmul.u32 @!p1 $0x30, v7  }
0x142: {  	v3 =	vand.u32 @!p1 $0x7, v3  }
0x143: {  	v3 =	vor.u32 @!p1 v3, v7  }
0x144: {  	v4 =	vperm.xlane @!p1 v3, v4;
	_ =	sdelay $0x1  }
0x145: {  	v4 =	vadd.s32 @!p1 v6, v4;
	_ =	sdelay $0x3  }
0x146: {  	s15 =	simm.s32 @!p1 $0x15200;
	v3 =	vperm.xlane @!p1 v3, v5  }
0x147: {  	[tilespmem:s15], [sflag:$0x4] =	stream.indirect_vreg.gather @!p1 [hbm4b:s2+s7], $0x80, v4, vm1, $0xb8;
	[tilespmem:$0x1E200] =	vst v63  }
0x148: {  	v3 =	vadd.s32 @!p1 v6, v3;
	s15 =	simm.s32 @!p1 $0x15A00  }
0x149: {  	[tilespmem:s15], [sflag:$0x4] =	stream.indirect_vreg.gather @!p1 [hbm4b:s5+s7], $0x80, v4, vm1, $0xb8;
	[tilespmem:$0x1E200] =	vst v63  }
0x14a: {  	s15 =	simm.s32 @!p1 $0x16200  }
0x14b: {  	[tilespmem:s15], [sflag:$0x4] =	stream.indirect_vreg.gather @!p1 [hbm4b:s6+s7], $0x80, v4, vm1, $0xb8;
	[tilespmem:$0x1E200] =	vst v63  }
0x14c: {  	s15 =	simm.s32 @!p1 $0x16A00  }
0x14d: {  	[tilespmem:s15], [sflag:$0x4] =	stream.indirect_vreg.gather @!p1 [hbm4b:s2+s7], $0x80, v3, vm1, $0xb8;
	[tilespmem:$0x1E200] =	vst v63  }
0x14e: {  	s15 =	simm.s32 @!p1 $0x17200  }
0x14f: {  	[tilespmem:s15], [sflag:$0x4] =	stream.indirect_vreg.gather @!p1 [hbm4b:s5+s7], $0x80, v3, vm1, $0xb8;
	[tilespmem:$0x1E200] =	vst v63  }
0x150: {  	s15 =	simm.s32 @!p1 $0x17A00  }
0x151: {  	[tilespmem:s15], [sflag:$0x4] =	stream.indirect_vreg.gather @!p1 [hbm4b:s6+s7], $0x80, v3, vm1, $0xb8;
	[tilespmem:$0x1E200] =	vst v63  }
.Ltmp6:
0x152: {  	s7 =	simm.s32 @!p0 $0x5;
	(pc) =	sbr.rel .LBB2_9-.Ltmp6, $4  }
0x153: {  	_ =	swait.ge @!p0 [sflag:s7], $0x6000  }
0x154: {  	[sflag:s7] =	ssyncset.done @!p0 $0x0  }
0x155: {  	s15 =	simm.s32 @!p0 $0x18200;
	[sflag:s7] =	ssyncadd.s32 @!p0 $0xFFFFA000;
	s7 =	simm.s32 @!p0 $0x0  }
0x156: {  	[hbm4b:s8+s7] =	stream.linear.scatter @!p0 [tilespmem:s15], [sflag:$0xA], $0x6000, $0x38;
	[tilespmem:$0x1E200] =	vst v63  }
.LBB2_3:
0x157: {  	p0 =	seq.s32 s7, $0x0  }
.Ltmp7:
0x158: {  	_ = 	snop;
	(pc) =	sbr.rel @!p0 .LBB2_7-.Ltmp7, $1  }
0x159: {  	_ =	sdelay $0x3  }
0x15a: {  	p0 =	seq.s32 s4, $0x0  }
0x15b: {  	s7 =	simm.s32 @!p0 $0xA  }
0x15c: {  	_ =	swait.ge @!p0 [sflag:s7], $0x6000  }
0x15d: {  	p1 =	sgt.u32 @!p0 s4, $0xB;
	[sflag:s7] =	ssyncset.done @!p0 $0x0  }
0x15e: {  	p1 =	por p0, !p1;
	[sflag:s7] =	ssyncadd.s32 @!p0 $0xFFFFA000  }
0x15f: {  	v3 =	vld @p1 [tilespmem:s14+$0xFFFFFFF0];
	_ =	sdelay $0x4  }
0x160: {  	v4 =	vshrl.u32 @p1 v3, $0x3  }
0x161: {  	v4 =	vmul.u32 @p1 $0x30, v4  }
0x162: {  	v3 =	vand.u32 @p1 $0x7, v3  }
0x163: {  	v3 =	vor.u32 @p1 v3, v4  }
0x164: {  	v4 =	vperm.xlane @p1 v3, v0;
	_ =	sdelay $0x1  }
0x165: {  	v4 =	vadd.s32 @p1 v1, v4;
	_ =	sdelay $0x3  }
0x166: {  	v3 =	vperm.xlane @p1 v3, v2  }
0x167: {  	[tilespmem:s16], [sflag:$0x5] =	stream.indirect_vreg.gather @p1 [hbm4b:s2+s3], $0x80, v4, vm0, $0xb8;
	[tilespmem:$0x1E200] =	vst v63  }
0x168: {  	v3 =	vadd.s32 @p1 v1, v3  }
0x169: {  	[tilespmem:s17], [sflag:$0x5] =	stream.indirect_vreg.gather @p1 [hbm4b:s5+s3], $0x80, v4, vm0, $0xb8;
	[tilespmem:$0x1E200] =	vst v63  }
0x16a: {  	_ = 	snop  }
0x16b: {  	[tilespmem:s18], [sflag:$0x5] =	stream.indirect_vreg.gather @p1 [hbm4b:s6+s3], $0x80, v4, vm0, $0xb8;
	[tilespmem:$0x1E200] =	vst v63  }
0x16c: {  	_ = 	snop  }
0x16d: {  	[tilespmem:s19], [sflag:$0x5] =	stream.indirect_vreg.gather @p1 [hbm4b:s2+s3], $0x80, v3, vm0, $0xb8;
	[tilespmem:$0x1E200] =	vst v63  }
0x16e: {  	_ = 	snop  }
0x16f: {  	[tilespmem:s20], [sflag:$0x5] =	stream.indirect_vreg.gather @p1 [hbm4b:s5+s3], $0x80, v3, vm0, $0xb8;
	[tilespmem:$0x1E200] =	vst v63  }
0x170: {  	_ = 	snop  }
0x171: {  	[tilespmem:s21], [sflag:$0x5] =	stream.indirect_vreg.gather @p1 [hbm4b:s6+s3], $0x80, v3, vm0, $0xb8;
	[tilespmem:$0x1E200] =	vst v63  }
0x172: {  	v3 =	vld @p1 [tilespmem:s14+$0x0];
	_ =	sdelay $0x4  }
0x173: {  	v4 =	vshrl.u32 @p1 v3, $0x3  }
0x174: {  	v4 =	vmul.u32 @p1 $0x30, v4  }
0x175: {  	v3 =	vand.u32 @p1 $0x7, v3  }
0x176: {  	v3 =	vor.u32 @p1 v3, v4  }
0x177: {  	v4 =	vperm.xlane @p1 v3, v0;
	_ =	sdelay $0x1  }
0x178: {  	v4 =	vadd.s32 @p1 v1, v4;
	_ =	sdelay $0x3  }
0x179: {  	v3 =	vperm.xlane @p1 v3, v2  }
0x17a: {  	[tilespmem:s23], [sflag:$0x5] =	stream.indirect_vreg.gather @p1 [hbm4b:s2+s3], $0x80, v4, vm0, $0xb8;
	[tilespmem:$0x1E200] =	vst v63  }
0x17b: {  	v3 =	vadd.s32 @p1 v1, v3  }
0x17c: {  	[tilespmem:s24], [sflag:$0x5] =	stream.indirect_vreg.gather @p1 [hbm4b:s5+s3], $0x80, v4, vm0, $0xb8;
	[tilespmem:$0x1E200] =	vst v63  }
0x17d: {  	_ = 	snop  }
0x17e: {  	[tilespmem:s25], [sflag:$0x5] =	stream.indirect_vreg.gather @p1 [hbm4b:s6+s3], $0x80, v4, vm0, $0xb8;
	[tilespmem:$0x1E200] =	vst v63  }
0x17f: {  	_ = 	snop  }
0x180: {  	[tilespmem:s26], [sflag:$0x5] =	stream.indirect_vreg.gather @p1 [hbm4b:s2+s3], $0x80, v3, vm0, $0xb8;
	[tilespmem:$0x1E200] =	vst v63  }
0x181: {  	_ = 	snop  }
0x182: {  	[tilespmem:s28], [sflag:$0x5] =	stream.indirect_vreg.gather @p1 [hbm4b:s5+s3], $0x80, v3, vm0, $0xb8;
	[tilespmem:$0x1E200] =	vst v63  }
0x183: {  	_ = 	snop  }
0x184: {  	[tilespmem:s29], [sflag:$0x5] =	stream.indirect_vreg.gather @p1 [hbm4b:s6+s3], $0x80, v3, vm0, $0xb8;
	[tilespmem:$0x1E200] =	vst v63  }
.Ltmp8:
0x185: {  	_ = 	snop;
	(pc) =	sbr.rel .LBB2_9-.Ltmp8, $4  }
0x186: {  	_ =	swait.ge [sflag:s30], $0x6000  }
0x187: {  	[sflag:s30] =	ssyncset.done $0x0  }
0x188: {  	[sflag:s30] =	ssyncadd.s32 $0xFFFFA000  }
0x189: {  	[hbm4b:s8+s3] =	stream.linear.scatter [tilespmem:s10], [sflag:$0x6], $0x6000, $0x38;
	[tilespmem:$0x1E200] =	vst v63  }
.LBB2_7:
0x18a: {  	_ =	swait.ge [sflag:s31], $0x6000  }
0x18b: {  	[sflag:s31] =	ssyncset.done $0x0  }
0x18c: {  	p0 =	sgt.u32 s4, $0xB;
	[sflag:s31] =	ssyncadd.s32 $0xFFFFA000  }
0x18d: {  	v3 =	vld @!p0 [tilespmem:s14+$0xFFFFFFF0];
	_ =	sdelay $0x4  }
0x18e: {  	v4 =	vshrl.u32 @!p0 v3, $0x3  }
0x18f: {  	v4 =	vmul.u32 @!p0 $0x30, v4  }
0x190: {  	v5 =	vlaneseq.u32 @!p0;
	v3 =	vand.u32 @!p0 $0x7, v3  }
0x191: {  	v6 =	vshrl.u32 @!p0 v5, $0x3;
	v3 =	vor.u32 @!p0 v3, v4;
	v4 =	vand.u32 @!p0 $0x7, v5  }
0x192: {  	v6 =	vmul.u32 @!p0 $0x8, v6;
	v7 =	vperm.xlane @!p0 v3, v4;
	_ =	sdelay $0x1  }
0x193: {  	v7 =	vadd.s32 @!p0 v6, v7;
	_ =	sdelay $0x2  }
0x194: {  	v5 =	vor.u32 @!p0 $0x8, v5  }
0x195: {  	vm1 =	vmmov @!p0 $0xffff;
	s7 =	simm.s32 @!p0 $0x0;
	s15 =	simm.s32 @!p0 $0x200;
	v3 =	vperm.xlane @!p0 v3, v5  }
0x196: {  	[tilespmem:s15], [sflag:$0x1] =	stream.indirect_vreg.gather @!p0 [hbm4b:s2+s7], $0x80, v7, vm1, $0xb8;
	[tilespmem:$0x1E200] =	vst v63  }
0x197: {  	v3 =	vadd.s32 @!p0 v6, v3;
	s15 =	simm.s32 @!p0 $0xA00  }
0x198: {  	[tilespmem:s15], [sflag:$0x1] =	stream.indirect_vreg.gather @!p0 [hbm4b:s5+s7], $0x80, v7, vm1, $0xb8;
	[tilespmem:$0x1E200] =	vst v63  }
0x199: {  	s15 =	simm.s32 @!p0 $0x1200  }
0x19a: {  	[tilespmem:s15], [sflag:$0x1] =	stream.indirect_vreg.gather @!p0 [hbm4b:s6+s7], $0x80, v7, vm1, $0xb8;
	[tilespmem:$0x1E200] =	vst v63  }
0x19b: {  	s15 =	simm.s32 @!p0 $0x1A00  }
0x19c: {  	[tilespmem:s15], [sflag:$0x1] =	stream.indirect_vreg.gather @!p0 [hbm4b:s2+s7], $0x80, v3, vm1, $0xb8;
	[tilespmem:$0x1E200] =	vst v63  }
0x19d: {  	s15 =	simm.s32 @!p0 $0x2200  }
0x19e: {  	[tilespmem:s15], [sflag:$0x1] =	stream.indirect_vreg.gather @!p0 [hbm4b:s5+s7], $0x80, v3, vm1, $0xb8;
	[tilespmem:$0x1E200] =	vst v63  }
0x19f: {  	s15 =	simm.s32 @!p0 $0x2A00  }
0x1a0: {  	[tilespmem:s15], [sflag:$0x1] =	stream.indirect_vreg.gather @!p0 [hbm4b:s6+s7], $0x80, v3, vm1, $0xb8;
	[tilespmem:$0x1E200] =	vst v63  }
0x1a1: {  	v3 =	vld @!p0 [tilespmem:s14+$0x0];
	_ =	sdelay $0x4  }
0x1a2: {  	v7 =	vshrl.u32 @!p0 v3, $0x3  }
0x1a3: {  	v7 =	vmul.u32 @!p0 $0x30, v7  }
0x1a4: {  	v3 =	vand.u32 @!p0 $0x7, v3  }
0x1a5: {  	v3 =	vor.u32 @!p0 v3, v7  }
0x1a6: {  	v4 =	vperm.xlane @!p0 v3, v4;
	_ =	sdelay $0x1  }
0x1a7: {  	v4 =	vadd.s32 @!p0 v6, v4;
	_ =	sdelay $0x3  }
0x1a8: {  	s15 =	simm.s32 @!p0 $0x3200;
	v3 =	vperm.xlane @!p0 v3, v5  }
0x1a9: {  	[tilespmem:s15], [sflag:$0x1] =	stream.indirect_vreg.gather @!p0 [hbm4b:s2+s7], $0x80, v4, vm1, $0xb8;
	[tilespmem:$0x1E200] =	vst v63  }
0x1aa: {  	v3 =	vadd.s32 @!p0 v6, v3;
	s15 =	simm.s32 @!p0 $0x3A00  }
0x1ab: {  	[tilespmem:s15], [sflag:$0x1] =	stream.indirect_vreg.gather @!p0 [hbm4b:s5+s7], $0x80, v4, vm1, $0xb8;
	[tilespmem:$0x1E200] =	vst v63  }
0x1ac: {  	s15 =	simm.s32 @!p0 $0x4200  }
0x1ad: {  	[tilespmem:s15], [sflag:$0x1] =	stream.indirect_vreg.gather @!p0 [hbm4b:s6+s7], $0x80, v4, vm1, $0xb8;
	[tilespmem:$0x1E200] =	vst v63  }
0x1ae: {  	s15 =	simm.s32 @!p0 $0x4A00  }
0x1af: {  	[tilespmem:s15], [sflag:$0x1] =	stream.indirect_vreg.gather @!p0 [hbm4b:s2+s7], $0x80, v3, vm1, $0xb8;
	[tilespmem:$0x1E200] =	vst v63  }
0x1b0: {  	s15 =	simm.s32 @!p0 $0x5200  }
0x1b1: {  	[tilespmem:s15], [sflag:$0x1] =	stream.indirect_vreg.gather @!p0 [hbm4b:s5+s7], $0x80, v3, vm1, $0xb8;
	[tilespmem:$0x1E200] =	vst v63  }
0x1b2: {  	s15 =	simm.s32 @!p0 $0x5A00  }
0x1b3: {  	[tilespmem:s15], [sflag:$0x1] =	stream.indirect_vreg.gather @!p0 [hbm4b:s6+s7], $0x80, v3, vm1, $0xb8;
	[tilespmem:$0x1E200] =	vst v63  }
.Ltmp9:
0x1b4: {  	_ = 	snop;
	(pc) =	sbr.rel .LBB2_9-.Ltmp9, $4  }
0x1b5: {  	_ =	swait.ge [sflag:s1], $0x6000  }
0x1b6: {  	[sflag:s1] =	ssyncset.done $0x0  }
0x1b7: {  	[sflag:s1] =	ssyncadd.s32 $0xFFFFA000  }
0x1b8: {  	[hbm4b:s8+s3] =	stream.linear.scatter [tilespmem:s22], [sflag:$0x7], $0x6000, $0x38;
	[tilespmem:$0x1E200] =	vst v63  }
.LBB2_11:
0x1b9: {  	_ =	sfence.sel $0x180000  }
0x1ba: {  	[bflag:$0x0] =	sbarrier.arrive $0xFFFF  }
0x1bb: {  	_ =	strace $0x90000047  }
0x1bc: {  	s0 =	stileid.u32;
	[bflag:$0x2] =	sbarrier.arrive $0xFFFF  }
0x1bd: {  	p0 =	sne.s32 s0, $0x0;
	s0 =	rddreg [dreg:$0x3]  }
0x1be: {  	s0 =	sadd.s32 @!p0 $0x100000, s0  }
0x1bf: {  	[sflag:s0] =	ssyncadd.tile.s32 @!p0 $0x1;
	_ =	shalt  }
.Lfunc_end2:
_tile_overlayer_lowered:
.L_overlay_start_2:
0x1c0: {  	(tag) =	ssettag $0x2  }
0x1c1: {  	s0 =	rddreg [dreg:$0x0];
	s2 =	stileid.u32  }
0x1c2: {  	s1 =	rddreg [dreg:$0x1];
	p0 =	sne.s32 s2, $0x0  }
0x1c3: {  	s3 =	rddreg [dreg:$0x2];
	[bflag:$0x3] =	sbarrier.arrive $0xFFFF;
	s2 =	simm.s32 @!p0 $0x1C0B  }
0x1c4: {  	[timem:s3], [sflag:s2] =	dma.local @!p0 [hbm:s0], s1  }
0x1c5: {  	s0 =	simm.s32 @!p0 $0xB  }
0x1c6: {  	_ =	swait.ge @!p0 [sflag:s0], s1  }
0x1c7: {  	s1 =	ssub.s32 @!p0 $0x0, s1;
	[sflag:s0] =	ssyncset.done @!p0 $0x0  }
0x1c8: {  	[sflag:s0] =	ssyncadd.s32 @!p0 s1  }
0x1c9: {  	[bflag:$0x3] =	sbarrier.arrive $0xFFFF  }
0x1ca: {  	_ =	shalt  }

</sc_bundles>
